<compile_context>
chip_gen: v7x
topology: tpu7x:2x2x1
jax: 0.10.2.dev20260603
libtpu: 0.0.44.dev20260713+nightly
codegen_flags: <defaults>
</compile_context>

<pallas_src>
import functools
import jax
import jax.numpy as jnp
from jax import lax
from jax.experimental import pallas as pl
from jax.experimental.pallas import tpu as pltpu, tpu_sc as plsc

_NC = 2
_NS = 16
_NW = _NC * _NS
_LANES = 16


def _policy_lr_sc(rows, cols, L, Rt, log_sigma):
    B = rows.shape[0]
    K = L.shape[1]
    assert B % _NW == 0 and K == 2 * _LANES
    NB = B // _NW
    NCH = NB // 128

    mesh = plsc.VectorSubcoreMesh(
        core_axis_name="c", subcore_axis_name="s",
        num_cores=_NC, num_subcores=_NS)

    @functools.partial(
        pl.kernel,
        out_type=(jax.ShapeDtypeStruct((B,), jnp.float32),
                  jax.ShapeDtypeStruct((_LANES,), jnp.float32)),
        mesh=mesh,
        compiler_params=pltpu.CompilerParams(
            needs_layout_passes=False, use_tc_tiling_on_sc=False),
        scratch_types=[
            pltpu.VMEM((NCH, 128), jnp.int32),
            pltpu.VMEM((NCH, 128), jnp.int32),
            pltpu.VMEM((NB, K), jnp.float32),
            pltpu.VMEM((NB, K), jnp.float32),
            pltpu.VMEM((NB,), jnp.float32),
            pltpu.VMEM((_LANES,), jnp.float32),
            pltpu.SemaphoreType.DMA,
            pltpu.SemaphoreType.DMA,
        ],
    )
    def k(rows_h, cols_h, l_h, rt_h, sig_h, out_h, out2_h,
          rows_v, cols_v, l_v, rt_v, res_v, sig_v, lsem, rsem):
        wid = lax.axis_index("s") * _NC + lax.axis_index("c")
        base = wid * NB

        for i in range(NCH):
            pltpu.sync_copy(rows_h.at[pl.ds(base + i * 128, 128)],
                            rows_v.at[i])
            pltpu.sync_copy(cols_h.at[pl.ds(base + i * 128, 128)],
                            cols_v.at[i])

        copies = []
        for i in range(NCH):
            copies.append(pltpu.async_copy(
                l_h.at[rows_v.at[i]], l_v.at[pl.ds(i * 128, 128)], lsem))
            copies.append(pltpu.async_copy(
                rt_h.at[cols_v.at[i]], rt_v.at[pl.ds(i * 128, 128)], rsem))
        for cp in copies:
            cp.wait()

        lane = lax.iota(jnp.int32, _LANES)
        last = lane == (_LANES - 1)

        def comp(b, _):
            l0 = l_v[b, pl.ds(0, _LANES)]
            l1 = l_v[b, pl.ds(_LANES, _LANES)]
            r0 = rt_v[b, pl.ds(0, _LANES)]
            r1 = rt_v[b, pl.ds(_LANES, _LANES)]
            v = l0 * r0 + l1 * r1
            cs = plsc.cumsum(v)
            plsc.store_scatter(
                res_v, [jnp.full((_LANES,), b, jnp.int32)], cs, mask=last)
            return 0

        lax.fori_loop(0, NB, comp, 0)

        pltpu.sync_copy(res_v, out_h.at[pl.ds(base, NB)])

        @pl.when(wid == 0)
        def _():
            pltpu.sync_copy(sig_h, sig_v.at[pl.ds(0, 1)])
            v = sig_v[...]
            sig_v[...] = jnp.minimum(jnp.maximum(v, -2.5), 0.0)
            pltpu.sync_copy(sig_v, out2_h)

    return k(rows, cols, L, Rt, log_sigma)


def kernel(rows, cols, L, R, log_sigma):
    res, sig16 = _policy_lr_sc(rows.astype(jnp.int32), cols.astype(jnp.int32),
                               L, R.T, log_sigma)
    return res, sig16[:1]

# --- scband reference (transcript-rebuilt; emitter-appended) ---
"""Pipeline reference for scband-policy-lr-66133906424081 (READ-ONLY COPY).

The authoritative reference and input builder live on the scoring server;
editing this copy changes nothing except your own understanding.
"""

import jax, jax.numpy as jnp
import numpy as np

N = 1000000
M = 1000000
K = 32
B = 16384
SCALE = 1.0

def setup_inputs(seed: int = 0) -> dict:
    key = jax.random.key(seed)
    k1, k2, k3, k4 = jax.random.split(key, 4)
    rows = jax.random.randint(k1, (B,), 0, N, dtype=jnp.int64) if jax.config.jax_enable_x64 else jax.random.randint(k1, (B,), 0, N, dtype=jnp.int32)
    cols = jax.random.randint(k2, (B,), 0, M, dtype=jnp.int64) if jax.config.jax_enable_x64 else jax.random.randint(k2, (B,), 0, M, dtype=jnp.int32)
    L = SCALE * jax.random.normal(k3, (N, K), dtype=jnp.float32)
    R = SCALE * jax.random.normal(k4, (K, M), dtype=jnp.float32)
    log_sigma = jnp.zeros((1,), dtype=jnp.float32)
    return {"rows": rows, "cols": cols, "L": L, "R": R, "log_sigma": log_sigma}

def reference(rows, cols, L, R, log_sigma):
    # prod = L[rows, :] * R[:, cols].T  -> [B, K]
    l_rows = jnp.take(L, rows, axis=0)          # [B, K] gather
    r_cols = jnp.take(R, cols, axis=1).T        # [B, K] gather (transposed)
    prod = l_rows * r_cols
    res = jnp.sum(prod, axis=-1)                # [B]
    clamped = jnp.clip(log_sigma, -2.5, 0.0)    # [1]
    return (res, clamped)

if __name__ == "__main__":
    import jax
    _d = setup_inputs()
    print(jax.jit(kernel)(*tuple(_d.values())))

</pallas_src>

<mosaic_0001>
#map = affine_map<(d0, d1) -> (0)>
#map1 = affine_map<(d0, d1) -> (0, 0)>
module attributes {stable_mosaic.version = 14 : i64} {
  func.func @k(%arg0: i32, %arg1: i32, %arg2: memref<16384xi32, #tpu.memory_space<hbm>>, %arg3: memref<16384xi32, #tpu.memory_space<hbm>>, %arg4: memref<1000000x32xf32, #tpu.memory_space<hbm>>, %arg5: memref<1000000x32xf32, #tpu.memory_space<hbm>>, %arg6: memref<1xf32, #tpu.memory_space<hbm>>, %arg7: memref<16384xf32, #tpu.memory_space<hbm>>, %arg8: memref<16xf32, #tpu.memory_space<hbm>>, %arg9: memref<4x128xi32, #tpu.memory_space<vmem>>, %arg10: memref<4x128xi32, #tpu.memory_space<vmem>>, %arg11: memref<512x32xf32, #tpu.memory_space<vmem>>, %arg12: memref<512x32xf32, #tpu.memory_space<vmem>>, %arg13: memref<512xf32, #tpu.memory_space<vmem>>, %arg14: memref<16xf32, #tpu.memory_space<vmem>>, %arg15: memref<!tpu.dma_semaphore, #tpu.memory_space<semaphore_mem>>, %arg16: memref<!tpu.dma_semaphore, #tpu.memory_space<semaphore_mem>>) attributes {dimension_semantics = [#tpu.dimension_semantics<core_parallel>, #tpu.dimension_semantics<subcore_parallel>], iteration_bounds = array<i64: 2, 16>, scalar_prefetch = 0 : i64, scratch_operands = 8 : i64, tpu.core_type = #tpu.core_type<sc_vector_subcore>, window_params = [{transform_indices = #map}, {transform_indices = #map}, {transform_indices = #map1}, {transform_indices = #map1}, {transform_indices = #map}, {transform_indices = #map}, {transform_indices = #map}]} {
    %mul3A = arith.constant 2 : i32
    %mul3A_0 = arith.muli %arg1, %mul3A : i32
    %add3A = arith.addi %mul3A_0, %arg0 : i32
    %mul3A_1 = arith.constant 512 : i32
    %mul3A_2 = arith.muli %add3A, %mul3A_1 : i32
    %add3A_3 = arith.constant 0 : i32
    %add3A_4 = arith.addi %mul3A_2, %add3A_3 : i32
    %run_scoped3A = arith.constant 0 : i32
    "tpu.region"() ({
      %run_scoped3A_195 = tpu.sem_alloc : memref<!tpu.dma_semaphore, #tpu.memory_space<semaphore_mem>>
      %dma_start3A_196 = arith.constant 0 : i32
      %dma_start3A_197 = tpu.memref_slice %arg9[%run_scoped3A, %dma_start3A_196] : memref<4x128xi32, #tpu.memory_space<vmem>> -> memref<1x128xi32, #tpu.memory_space<vmem>>
      %dma_start3A_198 = tpu.memref_squeeze %dma_start3A_197 : memref<1x128xi32, #tpu.memory_space<vmem>> -> memref<128xi32, #tpu.memory_space<vmem>>
      %dma_start3A_199 = tpu.memref_slice %arg2[%add3A_4] : memref<16384xi32, #tpu.memory_space<hbm>> -> memref<128xi32, #tpu.memory_space<hbm>>
      %dma_start3A_200 = arith.constant 0 : i32
      %dma_start3A_201 = tpu.memref_slice %arg9[%run_scoped3A, %dma_start3A_200] : memref<4x128xi32, #tpu.memory_space<vmem>> -> memref<1x128xi32, #tpu.memory_space<vmem>>
      %dma_start3A_202 = tpu.memref_squeeze %dma_start3A_201 : memref<1x128xi32, #tpu.memory_space<vmem>> -> memref<128xi32, #tpu.memory_space<vmem>>
      %dma_start3A_203 = tpu.memref_slice %arg2[%add3A_4] : memref<16384xi32, #tpu.memory_space<hbm>> -> memref<128xi32, #tpu.memory_space<hbm>>
      tpu.enqueue_dma source(%dma_start3A_203 : memref<128xi32, #tpu.memory_space<hbm>>) target(%dma_start3A_202 : memref<128xi32, #tpu.memory_space<vmem>>) target_semaphore(%run_scoped3A_195 : memref<!tpu.dma_semaphore, #tpu.memory_space<semaphore_mem>>)
      %dma_wait3A_204 = arith.constant 0 : i32
      %dma_wait3A_205 = tpu.memref_slice %arg9[%run_scoped3A, %dma_wait3A_204] : memref<4x128xi32, #tpu.memory_space<vmem>> -> memref<1x128xi32, #tpu.memory_space<vmem>>
      %dma_wait3A_206 = tpu.memref_squeeze %dma_wait3A_205 : memref<1x128xi32, #tpu.memory_space<vmem>> -> memref<128xi32, #tpu.memory_space<vmem>>
      %dma_wait3A_207 = tpu.memref_slice %arg2[%add3A_4] : memref<16384xi32, #tpu.memory_space<hbm>> -> memref<128xi32, #tpu.memory_space<hbm>>
      %dma_wait3A_208 = arith.constant 0 : i32
      %dma_wait3A_209 = tpu.memref_slice %arg9[%run_scoped3A, %dma_wait3A_208] : memref<4x128xi32, #tpu.memory_space<vmem>> -> memref<1x128xi32, #tpu.memory_space<vmem>>
      %dma_wait3A_210 = tpu.memref_squeeze %dma_wait3A_209 : memref<1x128xi32, #tpu.memory_space<vmem>> -> memref<128xi32, #tpu.memory_space<vmem>>
      %dma_wait3A_211 = tpu.memref_slice %arg2[%add3A_4] : memref<16384xi32, #tpu.memory_space<hbm>> -> memref<128xi32, #tpu.memory_space<hbm>>
      tpu.wait_dma2 semaphore(%run_scoped3A_195 : memref<!tpu.dma_semaphore, #tpu.memory_space<semaphore_mem>>) src(%dma_wait3A_211 : memref<128xi32, #tpu.memory_space<hbm>>) dst(%dma_wait3A_210 : memref<128xi32, #tpu.memory_space<vmem>>)
      tpu.yield
    }) : () -> ()
    %add3A_5 = arith.constant 0 : i32
    %add3A_6 = arith.addi %mul3A_2, %add3A_5 : i32
    %run_scoped3A_7 = arith.constant 0 : i32
    "tpu.region"() ({
      %run_scoped3A_195 = tpu.sem_alloc : memref<!tpu.dma_semaphore, #tpu.memory_space<semaphore_mem>>
      %dma_start3A_196 = arith.constant 0 : i32
      %dma_start3A_197 = tpu.memref_slice %arg10[%run_scoped3A_7, %dma_start3A_196] : memref<4x128xi32, #tpu.memory_space<vmem>> -> memref<1x128xi32, #tpu.memory_space<vmem>>
      %dma_start3A_198 = tpu.memref_squeeze %dma_start3A_197 : memref<1x128xi32, #tpu.memory_space<vmem>> -> memref<128xi32, #tpu.memory_space<vmem>>
      %dma_start3A_199 = tpu.memref_slice %arg3[%add3A_6] : memref<16384xi32, #tpu.memory_space<hbm>> -> memref<128xi32, #tpu.memory_space<hbm>>
      %dma_start3A_200 = arith.constant 0 : i32
      %dma_start3A_201 = tpu.memref_slice %arg10[%run_scoped3A_7, %dma_start3A_200] : memref<4x128xi32, #tpu.memory_space<vmem>> -> memref<1x128xi32, #tpu.memory_space<vmem>>
      %dma_start3A_202 = tpu.memref_squeeze %dma_start3A_201 : memref<1x128xi32, #tpu.memory_space<vmem>> -> memref<128xi32, #tpu.memory_space<vmem>>
      %dma_start3A_203 = tpu.memref_slice %arg3[%add3A_6] : memref<16384xi32, #tpu.memory_space<hbm>> -> memref<128xi32, #tpu.memory_space<hbm>>
      tpu.enqueue_dma source(%dma_start3A_203 : memref<128xi32, #tpu.memory_space<hbm>>) target(%dma_start3A_202 : memref<128xi32, #tpu.memory_space<vmem>>) target_semaphore(%run_scoped3A_195 : memref<!tpu.dma_semaphore, #tpu.memory_space<semaphore_mem>>)
      %dma_wait3A_204 = arith.constant 0 : i32
      %dma_wait3A_205 = tpu.memref_slice %arg10[%run_scoped3A_7, %dma_wait3A_204] : memref<4x128xi32, #tpu.memory_space<vmem>> -> memref<1x128xi32, #tpu.memory_space<vmem>>
      %dma_wait3A_206 = tpu.memref_squeeze %dma_wait3A_205 : memref<1x128xi32, #tpu.memory_space<vmem>> -> memref<128xi32, #tpu.memory_space<vmem>>
      %dma_wait3A_207 = tpu.memref_slice %arg3[%add3A_6] : memref<16384xi32, #tpu.memory_space<hbm>> -> memref<128xi32, #tpu.memory_space<hbm>>
      %dma_wait3A_208 = arith.constant 0 : i32
      %dma_wait3A_209 = tpu.memref_slice %arg10[%run_scoped3A_7, %dma_wait3A_208] : memref<4x128xi32, #tpu.memory_space<vmem>> -> memref<1x128xi32, #tpu.memory_space<vmem>>
      %dma_wait3A_210 = tpu.memref_squeeze %dma_wait3A_209 : memref<1x128xi32, #tpu.memory_space<vmem>> -> memref<128xi32, #tpu.memory_space<vmem>>
      %dma_wait3A_211 = tpu.memref_slice %arg3[%add3A_6] : memref<16384xi32, #tpu.memory_space<hbm>> -> memref<128xi32, #tpu.memory_space<hbm>>
      tpu.wait_dma2 semaphore(%run_scoped3A_195 : memref<!tpu.dma_semaphore, #tpu.memory_space<semaphore_mem>>) src(%dma_wait3A_211 : memref<128xi32, #tpu.memory_space<hbm>>) dst(%dma_wait3A_210 : memref<128xi32, #tpu.memory_space<vmem>>)
      tpu.yield
    }) : () -> ()
    %add3A_8 = arith.constant 128 : i32
    %add3A_9 = arith.addi %mul3A_2, %add3A_8 : i32
    %run_scoped3A_10 = arith.constant 1 : i32
    "tpu.region"() ({
      %run_scoped3A_195 = tpu.sem_alloc : memref<!tpu.dma_semaphore, #tpu.memory_space<semaphore_mem>>
      %dma_start3A_196 = arith.constant 0 : i32
      %dma_start3A_197 = tpu.memref_slice %arg9[%run_scoped3A_10, %dma_start3A_196] : memref<4x128xi32, #tpu.memory_space<vmem>> -> memref<1x128xi32, #tpu.memory_space<vmem>>
      %dma_start3A_198 = tpu.memref_squeeze %dma_start3A_197 : memref<1x128xi32, #tpu.memory_space<vmem>> -> memref<128xi32, #tpu.memory_space<vmem>>
      %dma_start3A_199 = tpu.memref_slice %arg2[%add3A_9] : memref<16384xi32, #tpu.memory_space<hbm>> -> memref<128xi32, #tpu.memory_space<hbm>>
      %dma_start3A_200 = arith.constant 0 : i32
      %dma_start3A_201 = tpu.memref_slice %arg9[%run_scoped3A_10, %dma_start3A_200] : memref<4x128xi32, #tpu.memory_space<vmem>> -> memref<1x128xi32, #tpu.memory_space<vmem>>
      %dma_start3A_202 = tpu.memref_squeeze %dma_start3A_201 : memref<1x128xi32, #tpu.memory_space<vmem>> -> memref<128xi32, #tpu.memory_space<vmem>>
      %dma_start3A_203 = tpu.memref_slice %arg2[%add3A_9] : memref<16384xi32, #tpu.memory_space<hbm>> -> memref<128xi32, #tpu.memory_space<hbm>>
      tpu.enqueue_dma source(%dma_start3A_203 : memref<128xi32, #tpu.memory_space<hbm>>) target(%dma_start3A_202 : memref<128xi32, #tpu.memory_space<vmem>>) target_semaphore(%run_scoped3A_195 : memref<!tpu.dma_semaphore, #tpu.memory_space<semaphore_mem>>)
      %dma_wait3A_204 = arith.constant 0 : i32
      %dma_wait3A_205 = tpu.memref_slice %arg9[%run_scoped3A_10, %dma_wait3A_204] : memref<4x128xi32, #tpu.memory_space<vmem>> -> memref<1x128xi32, #tpu.memory_space<vmem>>
      %dma_wait3A_206 = tpu.memref_squeeze %dma_wait3A_205 : memref<1x128xi32, #tpu.memory_space<vmem>> -> memref<128xi32, #tpu.memory_space<vmem>>
      %dma_wait3A_207 = tpu.memref_slice %arg2[%add3A_9] : memref<16384xi32, #tpu.memory_space<hbm>> -> memref<128xi32, #tpu.memory_space<hbm>>
      %dma_wait3A_208 = arith.constant 0 : i32
      %dma_wait3A_209 = tpu.memref_slice %arg9[%run_scoped3A_10, %dma_wait3A_208] : memref<4x128xi32, #tpu.memory_space<vmem>> -> memref<1x128xi32, #tpu.memory_space<vmem>>
      %dma_wait3A_210 = tpu.memref_squeeze %dma_wait3A_209 : memref<1x128xi32, #tpu.memory_space<vmem>> -> memref<128xi32, #tpu.memory_space<vmem>>
      %dma_wait3A_211 = tpu.memref_slice %arg2[%add3A_9] : memref<16384xi32, #tpu.memory_space<hbm>> -> memref<128xi32, #tpu.memory_space<hbm>>
      tpu.wait_dma2 semaphore(%run_scoped3A_195 : memref<!tpu.dma_semaphore, #tpu.memory_space<semaphore_mem>>) src(%dma_wait3A_211 : memref<128xi32, #tpu.memory_space<hbm>>) dst(%dma_wait3A_210 : memref<128xi32, #tpu.memory_space<vmem>>)
      tpu.yield
    }) : () -> ()
    %add3A_11 = arith.constant 128 : i32
    %add3A_12 = arith.addi %mul3A_2, %add3A_11 : i32
    %run_scoped3A_13 = arith.constant 1 : i32
    "tpu.region"() ({
      %run_scoped3A_195 = tpu.sem_alloc : memref<!tpu.dma_semaphore, #tpu.memory_space<semaphore_mem>>
      %dma_start3A_196 = arith.constant 0 : i32
      %dma_start3A_197 = tpu.memref_slice %arg10[%run_scoped3A_13, %dma_start3A_196] : memref<4x128xi32, #tpu.memory_space<vmem>> -> memref<1x128xi32, #tpu.memory_space<vmem>>
      %dma_start3A_198 = tpu.memref_squeeze %dma_start3A_197 : memref<1x128xi32, #tpu.memory_space<vmem>> -> memref<128xi32, #tpu.memory_space<vmem>>
      %dma_start3A_199 = tpu.memref_slice %arg3[%add3A_12] : memref<16384xi32, #tpu.memory_space<hbm>> -> memref<128xi32, #tpu.memory_space<hbm>>
      %dma_start3A_200 = arith.constant 0 : i32
      %dma_start3A_201 = tpu.memref_slice %arg10[%run_scoped3A_13, %dma_start3A_200] : memref<4x128xi32, #tpu.memory_space<vmem>> -> memref<1x128xi32, #tpu.memory_space<vmem>>
      %dma_start3A_202 = tpu.memref_squeeze %dma_start3A_201 : memref<1x128xi32, #tpu.memory_space<vmem>> -> memref<128xi32, #tpu.memory_space<vmem>>
      %dma_start3A_203 = tpu.memref_slice %arg3[%add3A_12] : memref<16384xi32, #tpu.memory_space<hbm>> -> memref<128xi32, #tpu.memory_space<hbm>>
      tpu.enqueue_dma source(%dma_start3A_203 : memref<128xi32, #tpu.memory_space<hbm>>) target(%dma_start3A_202 : memref<128xi32, #tpu.memory_space<vmem>>) target_semaphore(%run_scoped3A_195 : memref<!tpu.dma_semaphore, #tpu.memory_space<semaphore_mem>>)
      %dma_wait3A_204 = arith.constant 0 : i32
      %dma_wait3A_205 = tpu.memref_slice %arg10[%run_scoped3A_13, %dma_wait3A_204] : memref<4x128xi32, #tpu.memory_space<vmem>> -> memref<1x128xi32, #tpu.memory_space<vmem>>
      %dma_wait3A_206 = tpu.memref_squeeze %dma_wait3A_205 : memref<1x128xi32, #tpu.memory_space<vmem>> -> memref<128xi32, #tpu.memory_space<vmem>>
      %dma_wait3A_207 = tpu.memref_slice %arg3[%add3A_12] : memref<16384xi32, #tpu.memory_space<hbm>> -> memref<128xi32, #tpu.memory_space<hbm>>
      %dma_wait3A_208 = arith.constant 0 : i32
      %dma_wait3A_209 = tpu.memref_slice %arg10[%run_scoped3A_13, %dma_wait3A_208] : memref<4x128xi32, #tpu.memory_space<vmem>> -> memref<1x128xi32, #tpu.memory_space<vmem>>
      %dma_wait3A_210 = tpu.memref_squeeze %dma_wait3A_209 : memref<1x128xi32, #tpu.memory_space<vmem>> -> memref<128xi32, #tpu.memory_space<vmem>>
      %dma_wait3A_211 = tpu.memref_slice %arg3[%add3A_12] : memref<16384xi32, #tpu.memory_space<hbm>> -> memref<128xi32, #tpu.memory_space<hbm>>
      tpu.wait_dma2 semaphore(%run_scoped3A_195 : memref<!tpu.dma_semaphore, #tpu.memory_space<semaphore_mem>>) src(%dma_wait3A_211 : memref<128xi32, #tpu.memory_space<hbm>>) dst(%dma_wait3A_210 : memref<128xi32, #tpu.memory_space<vmem>>)
      tpu.yield
    }) : () -> ()
    %add3A_14 = arith.constant 256 : i32
    %add3A_15 = arith.addi %mul3A_2, %add3A_14 : i32
    %run_scoped3A_16 = arith.constant 2 : i32
    "tpu.region"() ({
      %run_scoped3A_195 = tpu.sem_alloc : memref<!tpu.dma_semaphore, #tpu.memory_space<semaphore_mem>>
      %dma_start3A_196 = arith.constant 0 : i32
      %dma_start3A_197 = tpu.memref_slice %arg9[%run_scoped3A_16, %dma_start3A_196] : memref<4x128xi32, #tpu.memory_space<vmem>> -> memref<1x128xi32, #tpu.memory_space<vmem>>
      %dma_start3A_198 = tpu.memref_squeeze %dma_start3A_197 : memref<1x128xi32, #tpu.memory_space<vmem>> -> memref<128xi32, #tpu.memory_space<vmem>>
      %dma_start3A_199 = tpu.memref_slice %arg2[%add3A_15] : memref<16384xi32, #tpu.memory_space<hbm>> -> memref<128xi32, #tpu.memory_space<hbm>>
      %dma_start3A_200 = arith.constant 0 : i32
      %dma_start3A_201 = tpu.memref_slice %arg9[%run_scoped3A_16, %dma_start3A_200] : memref<4x128xi32, #tpu.memory_space<vmem>> -> memref<1x128xi32, #tpu.memory_space<vmem>>
      %dma_start3A_202 = tpu.memref_squeeze %dma_start3A_201 : memref<1x128xi32, #tpu.memory_space<vmem>> -> memref<128xi32, #tpu.memory_space<vmem>>
      %dma_start3A_203 = tpu.memref_slice %arg2[%add3A_15] : memref<16384xi32, #tpu.memory_space<hbm>> -> memref<128xi32, #tpu.memory_space<hbm>>
      tpu.enqueue_dma source(%dma_start3A_203 : memref<128xi32, #tpu.memory_space<hbm>>) target(%dma_start3A_202 : memref<128xi32, #tpu.memory_space<vmem>>) target_semaphore(%run_scoped3A_195 : memref<!tpu.dma_semaphore, #tpu.memory_space<semaphore_mem>>)
      %dma_wait3A_204 = arith.constant 0 : i32
      %dma_wait3A_205 = tpu.memref_slice %arg9[%run_scoped3A_16, %dma_wait3A_204] : memref<4x128xi32, #tpu.memory_space<vmem>> -> memref<1x128xi32, #tpu.memory_space<vmem>>
      %dma_wait3A_206 = tpu.memref_squeeze %dma_wait3A_205 : memref<1x128xi32, #tpu.memory_space<vmem>> -> memref<128xi32, #tpu.memory_space<vmem>>
      %dma_wait3A_207 = tpu.memref_slice %arg2[%add3A_15] : memref<16384xi32, #tpu.memory_space<hbm>> -> memref<128xi32, #tpu.memory_space<hbm>>
      %dma_wait3A_208 = arith.constant 0 : i32
      %dma_wait3A_209 = tpu.memref_slice %arg9[%run_scoped3A_16, %dma_wait3A_208] : memref<4x128xi32, #tpu.memory_space<vmem>> -> memref<1x128xi32, #tpu.memory_space<vmem>>
      %dma_wait3A_210 = tpu.memref_squeeze %dma_wait3A_209 : memref<1x128xi32, #tpu.memory_space<vmem>> -> memref<128xi32, #tpu.memory_space<vmem>>
      %dma_wait3A_211 = tpu.memref_slice %arg2[%add3A_15] : memref<16384xi32, #tpu.memory_space<hbm>> -> memref<128xi32, #tpu.memory_space<hbm>>
      tpu.wait_dma2 semaphore(%run_scoped3A_195 : memref<!tpu.dma_semaphore, #tpu.memory_space<semaphore_mem>>) src(%dma_wait3A_211 : memref<128xi32, #tpu.memory_space<hbm>>) dst(%dma_wait3A_210 : memref<128xi32, #tpu.memory_space<vmem>>)
      tpu.yield
    }) : () -> ()
    %add3A_17 = arith.constant 256 : i32
    %add3A_18 = arith.addi %mul3A_2, %add3A_17 : i32
    %run_scoped3A_19 = arith.constant 2 : i32
    "tpu.region"() ({
      %run_scoped3A_195 = tpu.sem_alloc : memref<!tpu.dma_semaphore, #tpu.memory_space<semaphore_mem>>
      %dma_start3A_196 = arith.constant 0 : i32
      %dma_start3A_197 = tpu.memref_slice %arg10[%run_scoped3A_19, %dma_start3A_196] : memref<4x128xi32, #tpu.memory_space<vmem>> -> memref<1x128xi32, #tpu.memory_space<vmem>>
      %dma_start3A_198 = tpu.memref_squeeze %dma_start3A_197 : memref<1x128xi32, #tpu.memory_space<vmem>> -> memref<128xi32, #tpu.memory_space<vmem>>
      %dma_start3A_199 = tpu.memref_slice %arg3[%add3A_18] : memref<16384xi32, #tpu.memory_space<hbm>> -> memref<128xi32, #tpu.memory_space<hbm>>
      %dma_start3A_200 = arith.constant 0 : i32
      %dma_start3A_201 = tpu.memref_slice %arg10[%run_scoped3A_19, %dma_start3A_200] : memref<4x128xi32, #tpu.memory_space<vmem>> -> memref<1x128xi32, #tpu.memory_space<vmem>>
      %dma_start3A_202 = tpu.memref_squeeze %dma_start3A_201 : memref<1x128xi32, #tpu.memory_space<vmem>> -> memref<128xi32, #tpu.memory_space<vmem>>
      %dma_start3A_203 = tpu.memref_slice %arg3[%add3A_18] : memref<16384xi32, #tpu.memory_space<hbm>> -> memref<128xi32, #tpu.memory_space<hbm>>
      tpu.enqueue_dma source(%dma_start3A_203 : memref<128xi32, #tpu.memory_space<hbm>>) target(%dma_start3A_202 : memref<128xi32, #tpu.memory_space<vmem>>) target_semaphore(%run_scoped3A_195 : memref<!tpu.dma_semaphore, #tpu.memory_space<semaphore_mem>>)
      %dma_wait3A_204 = arith.constant 0 : i32
      %dma_wait3A_205 = tpu.memref_slice %arg10[%run_scoped3A_19, %dma_wait3A_204] : memref<4x128xi32, #tpu.memory_space<vmem>> -> memref<1x128xi32, #tpu.memory_space<vmem>>
      %dma_wait3A_206 = tpu.memref_squeeze %dma_wait3A_205 : memref<1x128xi32, #tpu.memory_space<vmem>> -> memref<128xi32, #tpu.memory_space<vmem>>
      %dma_wait3A_207 = tpu.memref_slice %arg3[%add3A_18] : memref<16384xi32, #tpu.memory_space<hbm>> -> memref<128xi32, #tpu.memory_space<hbm>>
      %dma_wait3A_208 = arith.constant 0 : i32
      %dma_wait3A_209 = tpu.memref_slice %arg10[%run_scoped3A_19, %dma_wait3A_208] : memref<4x128xi32, #tpu.memory_space<vmem>> -> memref<1x128xi32, #tpu.memory_space<vmem>>
      %dma_wait3A_210 = tpu.memref_squeeze %dma_wait3A_209 : memref<1x128xi32, #tpu.memory_space<vmem>> -> memref<128xi32, #tpu.memory_space<vmem>>
      %dma_wait3A_211 = tpu.memref_slice %arg3[%add3A_18] : memref<16384xi32, #tpu.memory_space<hbm>> -> memref<128xi32, #tpu.memory_space<hbm>>
      tpu.wait_dma2 semaphore(%run_scoped3A_195 : memref<!tpu.dma_semaphore, #tpu.memory_space<semaphore_mem>>) src(%dma_wait3A_211 : memref<128xi32, #tpu.memory_space<hbm>>) dst(%dma_wait3A_210 : memref<128xi32, #tpu.memory_space<vmem>>)
      tpu.yield
    }) : () -> ()
    %add3A_20 = arith.constant 384 : i32
    %add3A_21 = arith.addi %mul3A_2, %add3A_20 : i32
    %run_scoped3A_22 = arith.constant 3 : i32
    "tpu.region"() ({
      %run_scoped3A_195 = tpu.sem_alloc : memref<!tpu.dma_semaphore, #tpu.memory_space<semaphore_mem>>
      %dma_start3A_196 = arith.constant 0 : i32
      %dma_start3A_197 = tpu.memref_slice %arg9[%run_scoped3A_22, %dma_start3A_196] : memref<4x128xi32, #tpu.memory_space<vmem>> -> memref<1x128xi32, #tpu.memory_space<vmem>>
      %dma_start3A_198 = tpu.memref_squeeze %dma_start3A_197 : memref<1x128xi32, #tpu.memory_space<vmem>> -> memref<128xi32, #tpu.memory_space<vmem>>
      %dma_start3A_199 = tpu.memref_slice %arg2[%add3A_21] : memref<16384xi32, #tpu.memory_space<hbm>> -> memref<128xi32, #tpu.memory_space<hbm>>
      %dma_start3A_200 = arith.constant 0 : i32
      %dma_start3A_201 = tpu.memref_slice %arg9[%run_scoped3A_22, %dma_start3A_200] : memref<4x128xi32, #tpu.memory_space<vmem>> -> memref<1x128xi32, #tpu.memory_space<vmem>>
      %dma_start3A_202 = tpu.memref_squeeze %dma_start3A_201 : memref<1x128xi32, #tpu.memory_space<vmem>> -> memref<128xi32, #tpu.memory_space<vmem>>
      %dma_start3A_203 = tpu.memref_slice %arg2[%add3A_21] : memref<16384xi32, #tpu.memory_space<hbm>> -> memref<128xi32, #tpu.memory_space<hbm>>
      tpu.enqueue_dma source(%dma_start3A_203 : memref<128xi32, #tpu.memory_space<hbm>>) target(%dma_start3A_202 : memref<128xi32, #tpu.memory_space<vmem>>) target_semaphore(%run_scoped3A_195 : memref<!tpu.dma_semaphore, #tpu.memory_space<semaphore_mem>>)
      %dma_wait3A_204 = arith.constant 0 : i32
      %dma_wait3A_205 = tpu.memref_slice %arg9[%run_scoped3A_22, %dma_wait3A_204] : memref<4x128xi32, #tpu.memory_space<vmem>> -> memref<1x128xi32, #tpu.memory_space<vmem>>
      %dma_wait3A_206 = tpu.memref_squeeze %dma_wait3A_205 : memref<1x128xi32, #tpu.memory_space<vmem>> -> memref<128xi32, #tpu.memory_space<vmem>>
      %dma_wait3A_207 = tpu.memref_slice %arg2[%add3A_21] : memref<16384xi32, #tpu.memory_space<hbm>> -> memref<128xi32, #tpu.memory_space<hbm>>
      %dma_wait3A_208 = arith.constant 0 : i32
      %dma_wait3A_209 = tpu.memref_slice %arg9[%run_scoped3A_22, %dma_wait3A_208] : memref<4x128xi32, #tpu.memory_space<vmem>> -> memref<1x128xi32, #tpu.memory_space<vmem>>
      %dma_wait3A_210 = tpu.memref_squeeze %dma_wait3A_209 : memref<1x128xi32, #tpu.memory_space<vmem>> -> memref<128xi32, #tpu.memory_space<vmem>>
      %dma_wait3A_211 = tpu.memref_slice %arg2[%add3A_21] : memref<16384xi32, #tpu.memory_space<hbm>> -> memref<128xi32, #tpu.memory_space<hbm>>
      tpu.wait_dma2 semaphore(%run_scoped3A_195 : memref<!tpu.dma_semaphore, #tpu.memory_space<semaphore_mem>>) src(%dma_wait3A_211 : memref<128xi32, #tpu.memory_space<hbm>>) dst(%dma_wait3A_210 : memref<128xi32, #tpu.memory_space<vmem>>)
      tpu.yield
    }) : () -> ()
    %add3A_23 = arith.constant 384 : i32
    %add3A_24 = arith.addi %mul3A_2, %add3A_23 : i32
    %run_scoped3A_25 = arith.constant 3 : i32
    "tpu.region"() ({
      %run_scoped3A_195 = tpu.sem_alloc : memref<!tpu.dma_semaphore, #tpu.memory_space<semaphore_mem>>
      %dma_start3A_196 = arith.constant 0 : i32
      %dma_start3A_197 = tpu.memref_slice %arg10[%run_scoped3A_25, %dma_start3A_196] : memref<4x128xi32, #tpu.memory_space<vmem>> -> memref<1x128xi32, #tpu.memory_space<vmem>>
      %dma_start3A_198 = tpu.memref_squeeze %dma_start3A_197 : memref<1x128xi32, #tpu.memory_space<vmem>> -> memref<128xi32, #tpu.memory_space<vmem>>
      %dma_start3A_199 = tpu.memref_slice %arg3[%add3A_24] : memref<16384xi32, #tpu.memory_space<hbm>> -> memref<128xi32, #tpu.memory_space<hbm>>
      %dma_start3A_200 = arith.constant 0 : i32
      %dma_start3A_201 = tpu.memref_slice %arg10[%run_scoped3A_25, %dma_start3A_200] : memref<4x128xi32, #tpu.memory_space<vmem>> -> memref<1x128xi32, #tpu.memory_space<vmem>>
      %dma_start3A_202 = tpu.memref_squeeze %dma_start3A_201 : memref<1x128xi32, #tpu.memory_space<vmem>> -> memref<128xi32, #tpu.memory_space<vmem>>
      %dma_start3A_203 = tpu.memref_slice %arg3[%add3A_24] : memref<16384xi32, #tpu.memory_space<hbm>> -> memref<128xi32, #tpu.memory_space<hbm>>
      tpu.enqueue_dma source(%dma_start3A_203 : memref<128xi32, #tpu.memory_space<hbm>>) target(%dma_start3A_202 : memref<128xi32, #tpu.memory_space<vmem>>) target_semaphore(%run_scoped3A_195 : memref<!tpu.dma_semaphore, #tpu.memory_space<semaphore_mem>>)
      %dma_wait3A_204 = arith.constant 0 : i32
      %dma_wait3A_205 = tpu.memref_slice %arg10[%run_scoped3A_25, %dma_wait3A_204] : memref<4x128xi32, #tpu.memory_space<vmem>> -> memref<1x128xi32, #tpu.memory_space<vmem>>
      %dma_wait3A_206 = tpu.memref_squeeze %dma_wait3A_205 : memref<1x128xi32, #tpu.memory_space<vmem>> -> memref<128xi32, #tpu.memory_space<vmem>>
      %dma_wait3A_207 = tpu.memref_slice %arg3[%add3A_24] : memref<16384xi32, #tpu.memory_space<hbm>> -> memref<128xi32, #tpu.memory_space<hbm>>
      %dma_wait3A_208 = arith.constant 0 : i32
      %dma_wait3A_209 = tpu.memref_slice %arg10[%run_scoped3A_25, %dma_wait3A_208] : memref<4x128xi32, #tpu.memory_space<vmem>> -> memref<1x128xi32, #tpu.memory_space<vmem>>
      %dma_wait3A_210 = tpu.memref_squeeze %dma_wait3A_209 : memref<1x128xi32, #tpu.memory_space<vmem>> -> memref<128xi32, #tpu.memory_space<vmem>>
      %dma_wait3A_211 = tpu.memref_slice %arg3[%add3A_24] : memref<16384xi32, #tpu.memory_space<hbm>> -> memref<128xi32, #tpu.memory_space<hbm>>
      tpu.wait_dma2 semaphore(%run_scoped3A_195 : memref<!tpu.dma_semaphore, #tpu.memory_space<semaphore_mem>>) src(%dma_wait3A_211 : memref<128xi32, #tpu.memory_space<hbm>>) dst(%dma_wait3A_210 : memref<128xi32, #tpu.memory_space<vmem>>)
      tpu.yield
    }) : () -> ()
    %dma_start3A = arith.constant 0 : i32
    %dma_start3A_26 = arith.constant 0 : i32
    %dma_start3A_27 = arith.constant 0 : i32
    %dma_start3A_28 = tpu.memref_slice %arg11[%dma_start3A_26, %dma_start3A_27] : memref<512x32xf32, #tpu.memory_space<vmem>> -> memref<128x32xf32, #tpu.memory_space<vmem>>
    %dma_start3A_29 = arith.constant 0 : i32
    %dma_start3A_30 = tpu.memref_slice %arg9[%dma_start3A, %dma_start3A_29] : memref<4x128xi32, #tpu.memory_space<vmem>> -> memref<1x128xi32, #tpu.memory_space<vmem>>
    %dma_start3A_31 = tpu.memref_squeeze %dma_start3A_30 : memref<1x128xi32, #tpu.memory_space<vmem>> -> memref<128xi32, #tpu.memory_space<vmem>>
    %dma_start3A_32 = arith.constant 0 : i32
    %dma_start3A_33 = arith.constant 0 : i32
    %dma_start3A_34 = tpu.memref_slice %arg4[%dma_start3A_32, %dma_start3A_33] : memref<1000000x32xf32, #tpu.memory_space<hbm>> -> memref<1000000x32xf32, #tpu.memory_space<hbm>>
    tpu.enqueue_indirect_dma source(%dma_start3A_34 : memref<1000000x32xf32, #tpu.memory_space<hbm>>) target(%dma_start3A_28 : memref<128x32xf32, #tpu.memory_space<vmem>>) offsets(%dma_start3A_31 : memref<128xi32, #tpu.memory_space<vmem>>) semaphore(%arg15 : memref<!tpu.dma_semaphore, #tpu.memory_space<semaphore_mem>>)
    %dma_start3A_35 = arith.constant 0 : i32
    %dma_start3A_36 = arith.constant 0 : i32
    %dma_start3A_37 = arith.constant 0 : i32
    %dma_start3A_38 = tpu.memref_slice %arg12[%dma_start3A_36, %dma_start3A_37] : memref<512x32xf32, #tpu.memory_space<vmem>> -> memref<128x32xf32, #tpu.memory_space<vmem>>
    %dma_start3A_39 = arith.constant 0 : i32
    %dma_start3A_40 = tpu.memref_slice %arg10[%dma_start3A_35, %dma_start3A_39] : memref<4x128xi32, #tpu.memory_space<vmem>> -> memref<1x128xi32, #tpu.memory_space<vmem>>
    %dma_start3A_41 = tpu.memref_squeeze %dma_start3A_40 : memref<1x128xi32, #tpu.memory_space<vmem>> -> memref<128xi32, #tpu.memory_space<vmem>>
    %dma_start3A_42 = arith.constant 0 : i32
    %dma_start3A_43 = arith.constant 0 : i32
    %dma_start3A_44 = tpu.memref_slice %arg5[%dma_start3A_42, %dma_start3A_43] : memref<1000000x32xf32, #tpu.memory_space<hbm>> -> memref<1000000x32xf32, #tpu.memory_space<hbm>>
    tpu.enqueue_indirect_dma source(%dma_start3A_44 : memref<1000000x32xf32, #tpu.memory_space<hbm>>) target(%dma_start3A_38 : memref<128x32xf32, #tpu.memory_space<vmem>>) offsets(%dma_start3A_41 : memref<128xi32, #tpu.memory_space<vmem>>) semaphore(%arg16 : memref<!tpu.dma_semaphore, #tpu.memory_space<semaphore_mem>>)
    %dma_start3A_45 = arith.constant 1 : i32
    %dma_start3A_46 = arith.constant 128 : i32
    %dma_start3A_47 = arith.constant 0 : i32
    %dma_start3A_48 = tpu.memref_slice %arg11[%dma_start3A_46, %dma_start3A_47] : memref<512x32xf32, #tpu.memory_space<vmem>> -> memref<128x32xf32, #tpu.memory_space<vmem>>
    %dma_start3A_49 = arith.constant 0 : i32
    %dma_start3A_50 = tpu.memref_slice %arg9[%dma_start3A_45, %dma_start3A_49] : memref<4x128xi32, #tpu.memory_space<vmem>> -> memref<1x128xi32, #tpu.memory_space<vmem>>
    %dma_start3A_51 = tpu.memref_squeeze %dma_start3A_50 : memref<1x128xi32, #tpu.memory_space<vmem>> -> memref<128xi32, #tpu.memory_space<vmem>>
    %dma_start3A_52 = arith.constant 0 : i32
    %dma_start3A_53 = arith.constant 0 : i32
    %dma_start3A_54 = tpu.memref_slice %arg4[%dma_start3A_52, %dma_start3A_53] : memref<1000000x32xf32, #tpu.memory_space<hbm>> -> memref<1000000x32xf32, #tpu.memory_space<hbm>>
    tpu.enqueue_indirect_dma source(%dma_start3A_54 : memref<1000000x32xf32, #tpu.memory_space<hbm>>) target(%dma_start3A_48 : memref<128x32xf32, #tpu.memory_space<vmem>>) offsets(%dma_start3A_51 : memref<128xi32, #tpu.memory_space<vmem>>) semaphore(%arg15 : memref<!tpu.dma_semaphore, #tpu.memory_space<semaphore_mem>>)
    %dma_start3A_55 = arith.constant 1 : i32
    %dma_start3A_56 = arith.constant 128 : i32
    %dma_start3A_57 = arith.constant 0 : i32
    %dma_start3A_58 = tpu.memref_slice %arg12[%dma_start3A_56, %dma_start3A_57] : memref<512x32xf32, #tpu.memory_space<vmem>> -> memref<128x32xf32, #tpu.memory_space<vmem>>
    %dma_start3A_59 = arith.constant 0 : i32
    %dma_start3A_60 = tpu.memref_slice %arg10[%dma_start3A_55, %dma_start3A_59] : memref<4x128xi32, #tpu.memory_space<vmem>> -> memref<1x128xi32, #tpu.memory_space<vmem>>
    %dma_start3A_61 = tpu.memref_squeeze %dma_start3A_60 : memref<1x128xi32, #tpu.memory_space<vmem>> -> memref<128xi32, #tpu.memory_space<vmem>>
    %dma_start3A_62 = arith.constant 0 : i32
    %dma_start3A_63 = arith.constant 0 : i32
    %dma_start3A_64 = tpu.memref_slice %arg5[%dma_start3A_62, %dma_start3A_63] : memref<1000000x32xf32, #tpu.memory_space<hbm>> -> memref<1000000x32xf32, #tpu.memory_space<hbm>>
    tpu.enqueue_indirect_dma source(%dma_start3A_64 : memref<1000000x32xf32, #tpu.memory_space<hbm>>) target(%dma_start3A_58 : memref<128x32xf32, #tpu.memory_space<vmem>>) offsets(%dma_start3A_61 : memref<128xi32, #tpu.memory_space<vmem>>) semaphore(%arg16 : memref<!tpu.dma_semaphore, #tpu.memory_space<semaphore_mem>>)
    %dma_start3A_65 = arith.constant 2 : i32
    %dma_start3A_66 = arith.constant 256 : i32
    %dma_start3A_67 = arith.constant 0 : i32
    %dma_start3A_68 = tpu.memref_slice %arg11[%dma_start3A_66, %dma_start3A_67] : memref<512x32xf32, #tpu.memory_space<vmem>> -> memref<128x32xf32, #tpu.memory_space<vmem>>
    %dma_start3A_69 = arith.constant 0 : i32
    %dma_start3A_70 = tpu.memref_slice %arg9[%dma_start3A_65, %dma_start3A_69] : memref<4x128xi32, #tpu.memory_space<vmem>> -> memref<1x128xi32, #tpu.memory_space<vmem>>
    %dma_start3A_71 = tpu.memref_squeeze %dma_start3A_70 : memref<1x128xi32, #tpu.memory_space<vmem>> -> memref<128xi32, #tpu.memory_space<vmem>>
    %dma_start3A_72 = arith.constant 0 : i32
    %dma_start3A_73 = arith.constant 0 : i32
    %dma_start3A_74 = tpu.memref_slice %arg4[%dma_start3A_72, %dma_start3A_73] : memref<1000000x32xf32, #tpu.memory_space<hbm>> -> memref<1000000x32xf32, #tpu.memory_space<hbm>>
    tpu.enqueue_indirect_dma source(%dma_start3A_74 : memref<1000000x32xf32, #tpu.memory_space<hbm>>) target(%dma_start3A_68 : memref<128x32xf32, #tpu.memory_space<vmem>>) offsets(%dma_start3A_71 : memref<128xi32, #tpu.memory_space<vmem>>) semaphore(%arg15 : memref<!tpu.dma_semaphore, #tpu.memory_space<semaphore_mem>>)
    %dma_start3A_75 = arith.constant 2 : i32
    %dma_start3A_76 = arith.constant 256 : i32
    %dma_start3A_77 = arith.constant 0 : i32
    %dma_start3A_78 = tpu.memref_slice %arg12[%dma_start3A_76, %dma_start3A_77] : memref<512x32xf32, #tpu.memory_space<vmem>> -> memref<128x32xf32, #tpu.memory_space<vmem>>
    %dma_start3A_79 = arith.constant 0 : i32
    %dma_start3A_80 = tpu.memref_slice %arg10[%dma_start3A_75, %dma_start3A_79] : memref<4x128xi32, #tpu.memory_space<vmem>> -> memref<1x128xi32, #tpu.memory_space<vmem>>
    %dma_start3A_81 = tpu.memref_squeeze %dma_start3A_80 : memref<1x128xi32, #tpu.memory_space<vmem>> -> memref<128xi32, #tpu.memory_space<vmem>>
    %dma_start3A_82 = arith.constant 0 : i32
    %dma_start3A_83 = arith.constant 0 : i32
    %dma_start3A_84 = tpu.memref_slice %arg5[%dma_start3A_82, %dma_start3A_83] : memref<1000000x32xf32, #tpu.memory_space<hbm>> -> memref<1000000x32xf32, #tpu.memory_space<hbm>>
    tpu.enqueue_indirect_dma source(%dma_start3A_84 : memref<1000000x32xf32, #tpu.memory_space<hbm>>) target(%dma_start3A_78 : memref<128x32xf32, #tpu.memory_space<vmem>>) offsets(%dma_start3A_81 : memref<128xi32, #tpu.memory_space<vmem>>) semaphore(%arg16 : memref<!tpu.dma_semaphore, #tpu.memory_space<semaphore_mem>>)
    %dma_start3A_85 = arith.constant 3 : i32
    %dma_start3A_86 = arith.constant 384 : i32
    %dma_start3A_87 = arith.constant 0 : i32
    %dma_start3A_88 = tpu.memref_slice %arg11[%dma_start3A_86, %dma_start3A_87] : memref<512x32xf32, #tpu.memory_space<vmem>> -> memref<128x32xf32, #tpu.memory_space<vmem>>
    %dma_start3A_89 = arith.constant 0 : i32
    %dma_start3A_90 = tpu.memref_slice %arg9[%dma_start3A_85, %dma_start3A_89] : memref<4x128xi32, #tpu.memory_space<vmem>> -> memref<1x128xi32, #tpu.memory_space<vmem>>
    %dma_start3A_91 = tpu.memref_squeeze %dma_start3A_90 : memref<1x128xi32, #tpu.memory_space<vmem>> -> memref<128xi32, #tpu.memory_space<vmem>>
    %dma_start3A_92 = arith.constant 0 : i32
    %dma_start3A_93 = arith.constant 0 : i32
    %dma_start3A_94 = tpu.memref_slice %arg4[%dma_start3A_92, %dma_start3A_93] : memref<1000000x32xf32, #tpu.memory_space<hbm>> -> memref<1000000x32xf32, #tpu.memory_space<hbm>>
    tpu.enqueue_indirect_dma source(%dma_start3A_94 : memref<1000000x32xf32, #tpu.memory_space<hbm>>) target(%dma_start3A_88 : memref<128x32xf32, #tpu.memory_space<vmem>>) offsets(%dma_start3A_91 : memref<128xi32, #tpu.memory_space<vmem>>) semaphore(%arg15 : memref<!tpu.dma_semaphore, #tpu.memory_space<semaphore_mem>>)
    %dma_start3A_95 = arith.constant 3 : i32
    %dma_start3A_96 = arith.constant 384 : i32
    %dma_start3A_97 = arith.constant 0 : i32
    %dma_start3A_98 = tpu.memref_slice %arg12[%dma_start3A_96, %dma_start3A_97] : memref<512x32xf32, #tpu.memory_space<vmem>> -> memref<128x32xf32, #tpu.memory_space<vmem>>
    %dma_start3A_99 = arith.constant 0 : i32
    %dma_start3A_100 = tpu.memref_slice %arg10[%dma_start3A_95, %dma_start3A_99] : memref<4x128xi32, #tpu.memory_space<vmem>> -> memref<1x128xi32, #tpu.memory_space<vmem>>
    %dma_start3A_101 = tpu.memref_squeeze %dma_start3A_100 : memref<1x128xi32, #tpu.memory_space<vmem>> -> memref<128xi32, #tpu.memory_space<vmem>>
    %dma_start3A_102 = arith.constant 0 : i32
    %dma_start3A_103 = arith.constant 0 : i32
    %dma_start3A_104 = tpu.memref_slice %arg5[%dma_start3A_102, %dma_start3A_103] : memref<1000000x32xf32, #tpu.memory_space<hbm>> -> memref<1000000x32xf32, #tpu.memory_space<hbm>>
    tpu.enqueue_indirect_dma source(%dma_start3A_104 : memref<1000000x32xf32, #tpu.memory_space<hbm>>) target(%dma_start3A_98 : memref<128x32xf32, #tpu.memory_space<vmem>>) offsets(%dma_start3A_101 : memref<128xi32, #tpu.memory_space<vmem>>) semaphore(%arg16 : memref<!tpu.dma_semaphore, #tpu.memory_space<semaphore_mem>>)
    %dma_wait3A = arith.constant 0 : i32
    %dma_wait3A_105 = arith.constant 0 : i32
    %dma_wait3A_106 = arith.constant 0 : i32
    %dma_wait3A_107 = tpu.memref_slice %arg11[%dma_wait3A_105, %dma_wait3A_106] : memref<512x32xf32, #tpu.memory_space<vmem>> -> memref<128x32xf32, #tpu.memory_space<vmem>>
    %dma_wait3A_108 = arith.constant 0 : i32
    %dma_wait3A_109 = tpu.memref_slice %arg9[%dma_wait3A, %dma_wait3A_108] : memref<4x128xi32, #tpu.memory_space<vmem>> -> memref<1x128xi32, #tpu.memory_space<vmem>>
    %dma_wait3A_110 = tpu.memref_squeeze %dma_wait3A_109 : memref<1x128xi32, #tpu.memory_space<vmem>> -> memref<128xi32, #tpu.memory_space<vmem>>
    %dma_wait3A_111 = arith.constant 0 : i32
    %dma_wait3A_112 = arith.constant 0 : i32
    %dma_wait3A_113 = tpu.memref_slice %arg4[%dma_wait3A_111, %dma_wait3A_112] : memref<1000000x32xf32, #tpu.memory_space<hbm>> -> memref<1000000x32xf32, #tpu.memory_space<hbm>>
    tpu.wait_indirect_dma semaphore(%arg15 : memref<!tpu.dma_semaphore, #tpu.memory_space<semaphore_mem>>) src(%dma_wait3A_113 : memref<1000000x32xf32, #tpu.memory_space<hbm>>) dst(%dma_wait3A_107 : memref<128x32xf32, #tpu.memory_space<vmem>>)
    %dma_wait3A_114 = arith.constant 0 : i32
    %dma_wait3A_115 = arith.constant 0 : i32
    %dma_wait3A_116 = arith.constant 0 : i32
    %dma_wait3A_117 = tpu.memref_slice %arg12[%dma_wait3A_115, %dma_wait3A_116] : memref<512x32xf32, #tpu.memory_space<vmem>> -> memref<128x32xf32, #tpu.memory_space<vmem>>
    %dma_wait3A_118 = arith.constant 0 : i32
    %dma_wait3A_119 = tpu.memref_slice %arg10[%dma_wait3A_114, %dma_wait3A_118] : memref<4x128xi32, #tpu.memory_space<vmem>> -> memref<1x128xi32, #tpu.memory_space<vmem>>
    %dma_wait3A_120 = tpu.memref_squeeze %dma_wait3A_119 : memref<1x128xi32, #tpu.memory_space<vmem>> -> memref<128xi32, #tpu.memory_space<vmem>>
    %dma_wait3A_121 = arith.constant 0 : i32
    %dma_wait3A_122 = arith.constant 0 : i32
    %dma_wait3A_123 = tpu.memref_slice %arg5[%dma_wait3A_121, %dma_wait3A_122] : memref<1000000x32xf32, #tpu.memory_space<hbm>> -> memref<1000000x32xf32, #tpu.memory_space<hbm>>
    tpu.wait_indirect_dma semaphore(%arg16 : memref<!tpu.dma_semaphore, #tpu.memory_space<semaphore_mem>>) src(%dma_wait3A_123 : memref<1000000x32xf32, #tpu.memory_space<hbm>>) dst(%dma_wait3A_117 : memref<128x32xf32, #tpu.memory_space<vmem>>)
    %dma_wait3A_124 = arith.constant 1 : i32
    %dma_wait3A_125 = arith.constant 128 : i32
    %dma_wait3A_126 = arith.constant 0 : i32
    %dma_wait3A_127 = tpu.memref_slice %arg11[%dma_wait3A_125, %dma_wait3A_126] : memref<512x32xf32, #tpu.memory_space<vmem>> -> memref<128x32xf32, #tpu.memory_space<vmem>>
    %dma_wait3A_128 = arith.constant 0 : i32
    %dma_wait3A_129 = tpu.memref_slice %arg9[%dma_wait3A_124, %dma_wait3A_128] : memref<4x128xi32, #tpu.memory_space<vmem>> -> memref<1x128xi32, #tpu.memory_space<vmem>>
    %dma_wait3A_130 = tpu.memref_squeeze %dma_wait3A_129 : memref<1x128xi32, #tpu.memory_space<vmem>> -> memref<128xi32, #tpu.memory_space<vmem>>
    %dma_wait3A_131 = arith.constant 0 : i32
    %dma_wait3A_132 = arith.constant 0 : i32
    %dma_wait3A_133 = tpu.memref_slice %arg4[%dma_wait3A_131, %dma_wait3A_132] : memref<1000000x32xf32, #tpu.memory_space<hbm>> -> memref<1000000x32xf32, #tpu.memory_space<hbm>>
    tpu.wait_indirect_dma semaphore(%arg15 : memref<!tpu.dma_semaphore, #tpu.memory_space<semaphore_mem>>) src(%dma_wait3A_133 : memref<1000000x32xf32, #tpu.memory_space<hbm>>) dst(%dma_wait3A_127 : memref<128x32xf32, #tpu.memory_space<vmem>>)
    %dma_wait3A_134 = arith.constant 1 : i32
    %dma_wait3A_135 = arith.constant 128 : i32
    %dma_wait3A_136 = arith.constant 0 : i32
    %dma_wait3A_137 = tpu.memref_slice %arg12[%dma_wait3A_135, %dma_wait3A_136] : memref<512x32xf32, #tpu.memory_space<vmem>> -> memref<128x32xf32, #tpu.memory_space<vmem>>
    %dma_wait3A_138 = arith.constant 0 : i32
    %dma_wait3A_139 = tpu.memref_slice %arg10[%dma_wait3A_134, %dma_wait3A_138] : memref<4x128xi32, #tpu.memory_space<vmem>> -> memref<1x128xi32, #tpu.memory_space<vmem>>
    %dma_wait3A_140 = tpu.memref_squeeze %dma_wait3A_139 : memref<1x128xi32, #tpu.memory_space<vmem>> -> memref<128xi32, #tpu.memory_space<vmem>>
    %dma_wait3A_141 = arith.constant 0 : i32
    %dma_wait3A_142 = arith.constant 0 : i32
    %dma_wait3A_143 = tpu.memref_slice %arg5[%dma_wait3A_141, %dma_wait3A_142] : memref<1000000x32xf32, #tpu.memory_space<hbm>> -> memref<1000000x32xf32, #tpu.memory_space<hbm>>
    tpu.wait_indirect_dma semaphore(%arg16 : memref<!tpu.dma_semaphore, #tpu.memory_space<semaphore_mem>>) src(%dma_wait3A_143 : memref<1000000x32xf32, #tpu.memory_space<hbm>>) dst(%dma_wait3A_137 : memref<128x32xf32, #tpu.memory_space<vmem>>)
    %dma_wait3A_144 = arith.constant 2 : i32
    %dma_wait3A_145 = arith.constant 256 : i32
    %dma_wait3A_146 = arith.constant 0 : i32
    %dma_wait3A_147 = tpu.memref_slice %arg11[%dma_wait3A_145, %dma_wait3A_146] : memref<512x32xf32, #tpu.memory_space<vmem>> -> memref<128x32xf32, #tpu.memory_space<vmem>>
    %dma_wait3A_148 = arith.constant 0 : i32
    %dma_wait3A_149 = tpu.memref_slice %arg9[%dma_wait3A_144, %dma_wait3A_148] : memref<4x128xi32, #tpu.memory_space<vmem>> -> memref<1x128xi32, #tpu.memory_space<vmem>>
    %dma_wait3A_150 = tpu.memref_squeeze %dma_wait3A_149 : memref<1x128xi32, #tpu.memory_space<vmem>> -> memref<128xi32, #tpu.memory_space<vmem>>
    %dma_wait3A_151 = arith.constant 0 : i32
    %dma_wait3A_152 = arith.constant 0 : i32
    %dma_wait3A_153 = tpu.memref_slice %arg4[%dma_wait3A_151, %dma_wait3A_152] : memref<1000000x32xf32, #tpu.memory_space<hbm>> -> memref<1000000x32xf32, #tpu.memory_space<hbm>>
    tpu.wait_indirect_dma semaphore(%arg15 : memref<!tpu.dma_semaphore, #tpu.memory_space<semaphore_mem>>) src(%dma_wait3A_153 : memref<1000000x32xf32, #tpu.memory_space<hbm>>) dst(%dma_wait3A_147 : memref<128x32xf32, #tpu.memory_space<vmem>>)
    %dma_wait3A_154 = arith.constant 2 : i32
    %dma_wait3A_155 = arith.constant 256 : i32
    %dma_wait3A_156 = arith.constant 0 : i32
    %dma_wait3A_157 = tpu.memref_slice %arg12[%dma_wait3A_155, %dma_wait3A_156] : memref<512x32xf32, #tpu.memory_space<vmem>> -> memref<128x32xf32, #tpu.memory_space<vmem>>
    %dma_wait3A_158 = arith.constant 0 : i32
    %dma_wait3A_159 = tpu.memref_slice %arg10[%dma_wait3A_154, %dma_wait3A_158] : memref<4x128xi32, #tpu.memory_space<vmem>> -> memref<1x128xi32, #tpu.memory_space<vmem>>
    %dma_wait3A_160 = tpu.memref_squeeze %dma_wait3A_159 : memref<1x128xi32, #tpu.memory_space<vmem>> -> memref<128xi32, #tpu.memory_space<vmem>>
    %dma_wait3A_161 = arith.constant 0 : i32
    %dma_wait3A_162 = arith.constant 0 : i32
    %dma_wait3A_163 = tpu.memref_slice %arg5[%dma_wait3A_161, %dma_wait3A_162] : memref<1000000x32xf32, #tpu.memory_space<hbm>> -> memref<1000000x32xf32, #tpu.memory_space<hbm>>
    tpu.wait_indirect_dma semaphore(%arg16 : memref<!tpu.dma_semaphore, #tpu.memory_space<semaphore_mem>>) src(%dma_wait3A_163 : memref<1000000x32xf32, #tpu.memory_space<hbm>>) dst(%dma_wait3A_157 : memref<128x32xf32, #tpu.memory_space<vmem>>)
    %dma_wait3A_164 = arith.constant 3 : i32
    %dma_wait3A_165 = arith.constant 384 : i32
    %dma_wait3A_166 = arith.constant 0 : i32
    %dma_wait3A_167 = tpu.memref_slice %arg11[%dma_wait3A_165, %dma_wait3A_166] : memref<512x32xf32, #tpu.memory_space<vmem>> -> memref<128x32xf32, #tpu.memory_space<vmem>>
    %dma_wait3A_168 = arith.constant 0 : i32
    %dma_wait3A_169 = tpu.memref_slice %arg9[%dma_wait3A_164, %dma_wait3A_168] : memref<4x128xi32, #tpu.memory_space<vmem>> -> memref<1x128xi32, #tpu.memory_space<vmem>>
    %dma_wait3A_170 = tpu.memref_squeeze %dma_wait3A_169 : memref<1x128xi32, #tpu.memory_space<vmem>> -> memref<128xi32, #tpu.memory_space<vmem>>
    %dma_wait3A_171 = arith.constant 0 : i32
    %dma_wait3A_172 = arith.constant 0 : i32
    %dma_wait3A_173 = tpu.memref_slice %arg4[%dma_wait3A_171, %dma_wait3A_172] : memref<1000000x32xf32, #tpu.memory_space<hbm>> -> memref<1000000x32xf32, #tpu.memory_space<hbm>>
    tpu.wait_indirect_dma semaphore(%arg15 : memref<!tpu.dma_semaphore, #tpu.memory_space<semaphore_mem>>) src(%dma_wait3A_173 : memref<1000000x32xf32, #tpu.memory_space<hbm>>) dst(%dma_wait3A_167 : memref<128x32xf32, #tpu.memory_space<vmem>>)
    %dma_wait3A_174 = arith.constant 3 : i32
    %dma_wait3A_175 = arith.constant 384 : i32
    %dma_wait3A_176 = arith.constant 0 : i32
    %dma_wait3A_177 = tpu.memref_slice %arg12[%dma_wait3A_175, %dma_wait3A_176] : memref<512x32xf32, #tpu.memory_space<vmem>> -> memref<128x32xf32, #tpu.memory_space<vmem>>
    %dma_wait3A_178 = arith.constant 0 : i32
    %dma_wait3A_179 = tpu.memref_slice %arg10[%dma_wait3A_174, %dma_wait3A_178] : memref<4x128xi32, #tpu.memory_space<vmem>> -> memref<1x128xi32, #tpu.memory_space<vmem>>
    %dma_wait3A_180 = tpu.memref_squeeze %dma_wait3A_179 : memref<1x128xi32, #tpu.memory_space<vmem>> -> memref<128xi32, #tpu.memory_space<vmem>>
    %dma_wait3A_181 = arith.constant 0 : i32
    %dma_wait3A_182 = arith.constant 0 : i32
    %dma_wait3A_183 = tpu.memref_slice %arg5[%dma_wait3A_181, %dma_wait3A_182] : memref<1000000x32xf32, #tpu.memory_space<hbm>> -> memref<1000000x32xf32, #tpu.memory_space<hbm>>
    tpu.wait_indirect_dma semaphore(%arg16 : memref<!tpu.dma_semaphore, #tpu.memory_space<semaphore_mem>>) src(%dma_wait3A_183 : memref<1000000x32xf32, #tpu.memory_space<hbm>>) dst(%dma_wait3A_177 : memref<128x32xf32, #tpu.memory_space<vmem>>)
    %iota3A = tpu.iota {dimensions = array<i32: 0>} : vector<16xi32>
    %eq3A = arith.constant 15 : i32
    %eq3A_184 = vector.broadcast %eq3A : i32 to vector<16xi32>
    %eq3A_185 = arith.cmpi eq, %iota3A, %eq3A_184 : vector<16xi32>
    %scan3A = arith.constant 0 : i32
    %scan3A_186 = arith.constant 0 : i32
    %scan3A_187 = arith.constant 512 : i32
    %scan3A_188 = arith.addi %scan3A_186, %scan3A_187 : i32
    %scan3A_189 = arith.constant 1 : i32
    %scan3A_190 = scf.for %scan3A_195 = %scan3A_186 to %scan3A_188 step %scan3A_189 iter_args(%scan3A_196 = %scan3A) -> (i32)  : i32 {
      %get3A = arith.index_cast %scan3A_195 : i32 to index
      %get3A_197 = arith.constant 0 : index
      %get3A_198 = tpu.vector_load %arg11[%get3A, %get3A_197] {strides = array<i32>} : memref<512x32xf32, #tpu.memory_space<vmem>>, vector<16xf32>,
      %get3A_199 = arith.index_cast %scan3A_195 : i32 to index
      %get3A_200 = arith.constant 16 : index
      %get3A_201 = tpu.vector_load %arg11[%get3A_199, %get3A_200] {strides = array<i32>} : memref<512x32xf32, #tpu.memory_space<vmem>>, vector<16xf32>,
      %get3A_202 = arith.index_cast %scan3A_195 : i32 to index
      %get3A_203 = arith.constant 0 : index
      %get3A_204 = tpu.vector_load %arg12[%get3A_202, %get3A_203] {strides = array<i32>} : memref<512x32xf32, #tpu.memory_space<vmem>>, vector<16xf32>,
      %get3A_205 = arith.index_cast %scan3A_195 : i32 to index
      %get3A_206 = arith.constant 16 : index
      %get3A_207 = tpu.vector_load %arg12[%get3A_205, %get3A_206] {strides = array<i32>} : memref<512x32xf32, #tpu.memory_space<vmem>>, vector<16xf32>,
      %mul3A_208 = arith.mulf %get3A_198, %get3A_204 : vector<16xf32>
      %mul3A_209 = arith.mulf %get3A_201, %get3A_207 : vector<16xf32>
      %add3A_210 = arith.addf %mul3A_208, %mul3A_209 : vector<16xf32>
      %broadcast_in_dim3A = arith.constant true
      %broadcast_in_dim3A_211 = vector.broadcast %broadcast_in_dim3A : i1 to vector<16xi1>
      %masked_cumsum3A = tpu.scan <sum>, %add3A_210 masked %broadcast_in_dim3A_211 : vector<16xf32>, vector<16xi1> -> vector<16xf32>
      %broadcast_in_dim3A_212 = vector.broadcast %scan3A_195 : i32 to vector<16xi32>
      tpu.vector_store_idx %arg13[%broadcast_in_dim3A_212], %masked_cumsum3A masked %eq3A_185 : memref<512xf32, #tpu.memory_space<vmem>>[vector<16xi32>], vector<16xf32>, vector<16xi1>
      %scan3A_213 = arith.constant 0 : i32
      scf.yield %scan3A_213 : i32
    }
    %scan3A_191 = arith.constant 512 : i32
    "tpu.region"() ({
      %run_scoped3A_195 = tpu.sem_alloc : memref<!tpu.dma_semaphore, #tpu.memory_space<semaphore_mem>>
      %dma_start3A_196 = tpu.memref_slice %arg7[%mul3A_2] : memref<16384xf32, #tpu.memory_space<hbm>> -> memref<512xf32, #tpu.memory_space<hbm>>
      %dma_start3A_197 = tpu.memref_slice %arg7[%mul3A_2] : memref<16384xf32, #tpu.memory_space<hbm>> -> memref<512xf32, #tpu.memory_space<hbm>>
      tpu.enqueue_dma source(%arg13 : memref<512xf32, #tpu.memory_space<vmem>>) target(%dma_start3A_197 : memref<512xf32, #tpu.memory_space<hbm>>) target_semaphore(%run_scoped3A_195 : memref<!tpu.dma_semaphore, #tpu.memory_space<semaphore_mem>>)
      %dma_wait3A_198 = tpu.memref_slice %arg7[%mul3A_2] : memref<16384xf32, #tpu.memory_space<hbm>> -> memref<512xf32, #tpu.memory_space<hbm>>
      %dma_wait3A_199 = tpu.memref_slice %arg7[%mul3A_2] : memref<16384xf32, #tpu.memory_space<hbm>> -> memref<512xf32, #tpu.memory_space<hbm>>
      tpu.wait_dma2 semaphore(%run_scoped3A_195 : memref<!tpu.dma_semaphore, #tpu.memory_space<semaphore_mem>>) src(%arg13 : memref<512xf32, #tpu.memory_space<vmem>>) dst(%dma_wait3A_199 : memref<512xf32, #tpu.memory_space<hbm>>)
      tpu.yield
    }) : () -> ()
    %eq3A_192 = arith.constant 0 : i32
    %eq3A_193 = arith.cmpi eq, %add3A, %eq3A_192 : i32
    %convert_element_type3A = arith.extui %eq3A_193 : i1 to i32
    %cond3A = arith.constant 0 : i32
    %cond3A_194 = arith.cmpi ne, %convert_element_type3A, %cond3A : i32
    scf.if %cond3A_194 {
      "tpu.region"() ({
        %run_scoped3A_201 = tpu.sem_alloc : memref<!tpu.dma_semaphore, #tpu.memory_space<semaphore_mem>>
        %dma_start3A_202 = arith.constant 0 : i32
        %dma_start3A_203 = tpu.memref_slice %arg14[%dma_start3A_202] : memref<16xf32, #tpu.memory_space<vmem>> -> memref<1xf32, #tpu.memory_space<vmem>>
        %dma_start3A_204 = arith.constant 0 : i32
        %dma_start3A_205 = tpu.memref_slice %arg14[%dma_start3A_204] : memref<16xf32, #tpu.memory_space<vmem>> -> memref<1xf32, #tpu.memory_space<vmem>>
        tpu.enqueue_dma source(%arg6 : memref<1xf32, #tpu.memory_space<hbm>>) target(%dma_start3A_205 : memref<1xf32, #tpu.memory_space<vmem>>) target_semaphore(%run_scoped3A_201 : memref<!tpu.dma_semaphore, #tpu.memory_space<semaphore_mem>>)
        %dma_wait3A_206 = arith.constant 0 : i32
        %dma_wait3A_207 = tpu.memref_slice %arg14[%dma_wait3A_206] : memref<16xf32, #tpu.memory_space<vmem>> -> memref<1xf32, #tpu.memory_space<vmem>>
        %dma_wait3A_208 = arith.constant 0 : i32
        %dma_wait3A_209 = tpu.memref_slice %arg14[%dma_wait3A_208] : memref<16xf32, #tpu.memory_space<vmem>> -> memref<1xf32, #tpu.memory_space<vmem>>
        tpu.wait_dma2 semaphore(%run_scoped3A_201 : memref<!tpu.dma_semaphore, #tpu.memory_space<semaphore_mem>>) src(%arg6 : memref<1xf32, #tpu.memory_space<hbm>>) dst(%dma_wait3A_209 : memref<1xf32, #tpu.memory_space<vmem>>)
        tpu.yield
      }) : () -> ()
      %get3A = arith.constant 0 : index
      %get3A_195 = tpu.vector_load %arg14[%get3A] {strides = array<i32>} : memref<16xf32, #tpu.memory_space<vmem>>, vector<16xf32>,
      %max3A = arith.constant -2.500000e+00 : f32
      %max3A_196 = vector.broadcast %max3A : f32 to vector<16xf32>
      %max3A_197 = arith.maximumf %get3A_195, %max3A_196 : vector<16xf32>
      %min3A = arith.constant 0.000000e+00 : f32
      %min3A_198 = vector.broadcast %min3A : f32 to vector<16xf32>
      %min3A_199 = arith.minimumf %max3A_197, %min3A_198 : vector<16xf32>
      %swap3A = arith.constant 0 : index
      %swap3A_200 = tpu.vector_load %arg14[%swap3A] {strides = array<i32>} : memref<16xf32, #tpu.memory_space<vmem>>, vector<16xf32>,
      tpu.vector_store %arg14[%swap3A], %min3A_199 {strides = array<i32>} : memref<16xf32, #tpu.memory_space<vmem>>, vector<16xf32>,
      "tpu.region"() ({
        %run_scoped3A_201 = tpu.sem_alloc : memref<!tpu.dma_semaphore, #tpu.memory_space<semaphore_mem>>
        tpu.enqueue_dma source(%arg14 : memref<16xf32, #tpu.memory_space<vmem>>) target(%arg8 : memref<16xf32, #tpu.memory_space<hbm>>) target_semaphore(%run_scoped3A_201 : memref<!tpu.dma_semaphore, #tpu.memory_space<semaphore_mem>>)
        tpu.wait_dma2 semaphore(%run_scoped3A_201 : memref<!tpu.dma_semaphore, #tpu.memory_space<semaphore_mem>>) src(%arg14 : memref<16xf32, #tpu.memory_space<vmem>>) dst(%arg8 : memref<16xf32, #tpu.memory_space<hbm>>)
        tpu.yield
      }) : () -> ()
    } else {
    }
    return
  }
}

</mosaic_0001>

<sc_bundles>
// kernel: kernel.3.cloned.1.call-start
scs
__scs_entry_jumppad:
0x0: {  	(pc) =	sbr.rel $0x88, $3  }
0x1: {  	(tag) =	ssettag $0x0;
	lr =	simm.s32 $0x1  }
0x2: {  	[smem:$0x3F9C] =	sst lr;
	_ =	strace $0xD0000000  }
0x3: {  	_ = 	snop  }
0x4: {  	_ = 	snop  }
0x5: {  	_ = 	snop  }
0x6: {  	_ = 	snop  }
0x7: {  	_ = 	snop  }
__scs_overlays_trampoline_lowered:
0x8: {  	[smem:$0x3FAB] =	sst s0  }
0x9: {  	[smem:$0x3FAC] =	sst s1  }
0xa: {  	[smem:$0x3FAD] =	sst s2  }
0xb: {  	[smem:$0x3FAE] =	sst s3  }
0xc: {  	[smem:$0x3FAF] =	sst s4  }
0xd: {  	[smem:$0x3FB0] =	sst s5  }
0xe: {  	[smem:$0x3FB1] =	sst s6  }
0xf: {  	[smem:$0x3FB2] =	sst s7  }
0x10: {  	[smem:$0x3FB3] =	sst s8  }
0x11: {  	[smem:$0x3FB4] =	sst s9;
	s0 =	simm.s32 @!p0 $0x0  }
0x12: {  	s1 =	sld [smem:$0x3F9A];
	s0 =	simm.s32 @p0 $0x1  }
0x13: {  	[smem:$0x3FB5] =	sst s0;
	s0 =	simm.s32 @!p1 $0x0  }
0x14: {  	s2 =	sld [smem:$0x3F99];
	s0 =	simm.s32 @p1 $0x1  }
0x15: {  	[smem:$0x3FB6] =	sst s0;
	s0 =	simm.s32 @!p2 $0x0  }
0x16: {  	s3 =	sld [smem:$0x3FDB];
	s0 =	simm.s32 @p2 $0x1  }
0x17: {  	s4 =	simm.s32 $0x1BF5;
	[smem:$0x3FB8] =	sst s0  }
0x18: {  	s0 =	sld [smem:$0x3F9B];
	_ =	swait.ge [sflag:s4], $0x0  }
0x19: {  	s7 =	sld [smem:$0x3F9C]  }
0x1a: {  	s8 =	sadd.s32 $0xFFFFE003, lr  }
0x1b: {  	s9 =	sadd.s32 $0xFFFFFEF7, lr;
	s5 =	simm.s32 $0xFFFFFFFF;
	p2 =	slt.u32 s8, $0xFFFFF086  }
0x1c: {  	p1 =	slt.u32 s9, $0xF7A;
	s5 =	simm.s32 @!p2 $0x0  }
0x1d: {  	s5 =	simm.s32 @p1 $0x1;
	p0 =	seq.s32 s7, s2  }
0x1e: {  	s7 =	smul.u32 @!p0 $0xF7A, s2;
	p2 =	seq.s32 @!p0 s5, $0x0  }
0x1f: {  	s9 =	smul.u32 $0xF7A, s1;
	s8 =	simm.s32 @!p0 $0x1BF5;
	p2 =	por !p2, p0  }
0x20: {  	[sflag:s8] =	ssyncset.s32 @!p0 $0xFFFFF086;
	s6 =	sadd.s32 @!p0 s3, s7;
	s7 =	simm.s32 @!p0 $0x108  }
0x21: {  	s3 =	sadd.s32 s3, s9;
	s6 =	sadd.s32 @!p0 $0x88, s6;
	s7 =	simm.s32 @p2 $0x1082  }
0x22: {  	[simem:s7], [sflag:s8] =	dma.local @!p0 [hbm:s6], $0xF7A  }
0x23: {  	s9 =	sor.u32 $0xD0000000, s2;
	s6 =	simm.s32 $0x108;
	_ =	swait.ge @!p0 [sflag:s8], $0x0  }
0x24: {  	s3 =	sadd.s32 $0x88, s3;
	s6 =	simm.s32 @!p1 $0x1082;
	[sflag:s4] =	ssyncset.s32 $0xFFFFF086  }
0x25: {  	[simem:s6], [sflag:s4] =	dma.local [hbm:s3], $0xF7A  }
0x26: {  	[smem:$0x3F9C] =	sst s1;
	(tag) =	ssettag s2;
	_ =	strace s9  }
0x27: {  	s1 =	sld [smem:$0x3FAC]  }
0x28: {  	s2 =	sld [smem:$0x3FAD]  }
0x29: {  	s4 =	sld [smem:$0x3FAF]  }
0x2a: {  	p0 =	seq.s32 s5, $0x0;
	s5 =	sld [smem:$0x3FB0]  }
0x2b: {  	s6 =	sld [smem:$0x3FB1]  }
0x2c: {  	s7 =	sld [smem:$0x3FB2]  }
0x2d: {  	s3 =	simm.s32 $0x108;
	s8 =	sld [smem:$0x3FB3]  }
0x2e: {  	s3 =	simm.s32 @!p0 $0x1082;
	s9 =	sld [smem:$0x3FB4]  }
0x2f: {  	lr =	sadd.s32 s0, s3;
	s0 =	sld [smem:$0x3FAB]  }
0x30: {  	s3 =	sld [smem:$0x3FAE]  }
0x31: {  	[smem:$0x3FB7] =	sst s10  }
0x32: {  	s10 =	sld [smem:$0x3FB5];
	_ =	sdelay $0x3  }
0x33: {  	p0 =	seq.s32 s10, $0x1;
	s10 =	sld [smem:$0x3FB7];
	_ =	sdelay $0x3  }
0x34: {  	[smem:$0x3FB7] =	sst s10  }
0x35: {  	s10 =	sld [smem:$0x3FB6];
	_ =	sdelay $0x3  }
0x36: {  	p1 =	seq.s32 s10, $0x1;
	s10 =	sld [smem:$0x3FB7];
	_ =	sdelay $0x3  }
0x37: {  	[smem:$0x3FB7] =	sst s10  }
0x38: {  	s10 =	sld [smem:$0x3FB8]  }
0x39: {  	_ = 	snop;
	(pc) =	sbr.ind lr, $3  }
0x3a: {  	_ = 	snop  }
0x3b: {  	_ = 	snop  }
0x3c: {  	p2 =	seq.s32 s10, $0x1;
	s10 =	sld [smem:$0x3FB7]  }
0x3d: {  	_ =	shalt  }
0x3e: {  	_ =	shalt  }
0x3f: {  	_ =	shalt  }
0x40: {  	_ =	shalt  }
0x41: {  	_ =	shalt  }
0x42: {  	_ =	shalt  }
0x43: {  	_ =	shalt  }
0x44: {  	_ =	shalt  }
0x45: {  	_ =	shalt  }
0x46: {  	_ =	shalt  }
0x47: {  	_ =	shalt  }
0x48: {  	_ =	shalt  }
0x49: {  	_ =	shalt  }
0x4a: {  	_ =	shalt  }
0x4b: {  	_ =	shalt  }
0x4c: {  	_ =	shalt  }
0x4d: {  	_ =	shalt  }
0x4e: {  	_ =	shalt  }
0x4f: {  	_ =	shalt  }
0x50: {  	_ =	shalt  }
0x51: {  	_ =	shalt  }
0x52: {  	_ =	shalt  }
0x53: {  	_ =	shalt  }
0x54: {  	_ =	shalt  }
0x55: {  	_ =	shalt  }
0x56: {  	_ =	shalt  }
0x57: {  	_ =	shalt  }
0x58: {  	_ =	shalt  }
0x59: {  	_ =	shalt  }
0x5a: {  	_ =	shalt  }
0x5b: {  	_ =	shalt  }
0x5c: {  	_ =	shalt  }
0x5d: {  	_ =	shalt  }
0x5e: {  	_ =	shalt  }
0x5f: {  	_ =	shalt  }
0x60: {  	_ =	shalt  }
0x61: {  	_ =	shalt  }
0x62: {  	_ =	shalt  }
0x63: {  	_ =	shalt  }
0x64: {  	_ =	shalt  }
0x65: {  	_ =	shalt  }
0x66: {  	_ =	shalt  }
0x67: {  	_ =	shalt  }
0x68: {  	_ =	shalt  }
0x69: {  	_ =	shalt  }
0x6a: {  	_ =	shalt  }
0x6b: {  	_ =	shalt  }
0x6c: {  	_ =	shalt  }
0x6d: {  	_ =	shalt  }
0x6e: {  	_ =	shalt  }
0x6f: {  	_ =	shalt  }
0x70: {  	_ =	shalt  }
0x71: {  	_ =	shalt  }
0x72: {  	_ =	shalt  }
0x73: {  	_ =	shalt  }
0x74: {  	_ =	shalt  }
0x75: {  	_ =	shalt  }
0x76: {  	_ =	shalt  }
0x77: {  	_ =	shalt  }
0x78: {  	_ =	shalt  }
0x79: {  	_ =	shalt  }
0x7a: {  	_ =	shalt  }
0x7b: {  	_ =	shalt  }
0x7c: {  	_ =	shalt  }
0x7d: {  	_ =	shalt  }
0x7e: {  	_ =	shalt  }
0x7f: {  	_ =	shalt  }
0x80: {  	_ =	shalt  }
0x81: {  	_ =	shalt  }
0x82: {  	_ =	shalt  }
0x83: {  	_ =	shalt  }
0x84: {  	_ =	shalt  }
0x85: {  	_ =	shalt  }
0x86: {  	_ =	shalt  }
0x87: {  	_ =	shalt  }
.Lfunc_end0:
.L_simem_size_0:
called_computation_lowered:
.L_overlay_start_0:
0x88: {  	s2 =	sld [smem:$0x3FD9]  }
0x89: {  	s3 =	sld [smem:$0x3FFE];
	_ =	sdelay $0x1  }
0x8a: {  	s1 =	srdreg.scid  }
0x8b: {  	s0 =	sand.u32 $0x1, s1  }
0x8c: {  	s14 =	sshll.u32 s0, $0xA;
	s2 =	sadd.s32 s3, s2  }
0x8d: {  	s2 =	sadd.s32 s2, s14  }
0x8e: {  	[smem:$0x3FC3] =	sst s2  }
0x8f: {  	_ = 	snop  }
0x90: {  	s2 =	sld [smem:$0x3FD0]  }
0x91: {  	s15 =	sld [smem:$0x3FC9]  }
0x92: {  	s4 =	sld [smem:$0x3FC8]  }
0x93: {  	s6 =	simm.s32 $0xA;
	s7 =	simm.s32 $0x10;
	s5 =	sld [smem:$0x3FC5]  }
0x94: {  	[smem:s7], [sflag:s6] =	dma.local [hbm:s2], $0x1  }
0x95: {  	_ =	swait.eq [sflag:s6], $0x1  }
0x96: {  	[sflag:s6] =	ssyncset.done $0x0  }
0x97: {  	s16 =	sld [smem:$0x10];
	[sflag:s6] =	ssyncadd.s32 $0xFFFFFFFF  }
0x98: {  	s17 =	sld [smem:$0x11];
	(tm) =	ssettm $0x1  }
0x99: {  	s18 =	sld [smem:$0x3FFB];
	_ =	sdelay $0x3  }
0x9a: {  	_ =	strace s18  }
0x9b: {  	s7 =	sld [smem:$0x3FFC];
	_ =	sdelay $0x3  }
0x9c: {  	_ =	strace s7  }
0x9d: {  	s7 =	sld [smem:$0x3FFD];
	_ =	sdelay $0x3  }
0x9e: {  	_ =	strace s7  }
0x9f: {  	_ =	strace $0x8FFFFFFF  }
0xa0: {  	s19 =	sld [smem:$0x3FDB];
	_ =	sdelay $0x1  }
0xa1: {  	s8 =	simm.s32 $_scs_section_size  }
0xa2: {  	s9 =	simm.s32 $_size__tile_overlayer_lowered;
	s10 =	simm.s32 $_tile_overlayer_lowered  }
0xa3: {  	s22 =	simm.s32 $0x1BFF;
	s21 =	sshll.u32 s10, $0x1;
	s7 =	sadd.s32 s8, s19  }
0xa4: {  	s11 =	simm.s32 $0x0;
	s20 =	sshll.u32 s9, $0x1;
	s9 =	sadd.s32 s21, s7  }
0xa5: {  	[timem:s11], [sflag:s22] =	dma.local [hbm:s9], s20  }
0xa6: {  	_ =	swait.ge [sflag:s22], s20  }
0xa7: {  	s8 =	ssub.s32 $0x0, s20;
	[sflag:s22] =	ssyncset.done $0x0  }
0xa8: {  	[sflag:s22] =	ssyncadd.s32 s8;
	_ =	sdelay $0x1  }
0xa9: {  	s23 =	simm.s32 $0x1B8B  }
0xaa: {  	_ =	swait.ge [sflag:s23], $0x1  }
0xab: {  	[sflag:s23] =	ssyncset.done $0x0  }
0xac: {  	s25 =	simm.s32 $0x1B8E;
	s24 =	sld [smem:$0x3FFE];
	[sflag:s23] =	ssyncadd.s32 $0xFFFFFFFF  }
0xad: {  	s26 =	simm.s32 $execute0_lowered;
	[smem:$0x3FD2] =	sst s25  }
0xae: {  	s9 =	sshll.u32 s26, $0x1;
	_ =	strace $0x80000046;
	[dreg:$0x1] =	wrdreg $0xFFFFFFFF  }
0xaf: {  	s28 =	simm.s32 $_size_execute0_lowered;
	s7 =	sadd.s32 s7, s9;
	[dreg:$0x0] =	wrdreg $0x0  }
0xb0: {  	s9 =	sshll.u32 s28, $0x1;
	[dreg:$0x2] =	wrdreg s7  }
0xb1: {  	[dreg:$0x3] =	wrdreg s9  }
0xb2: {  	[dreg:$0x4] =	wrdreg $0xC0  }
0xb3: {  	_ =	task [dreg:s11], $0x5FFFF  }
0xb4: {  	[dreg:$0x1] =	wrdreg $0xFFFFFFFF  }
0xb5: {  	[dreg:$0x0] =	wrdreg $0x60  }
0xb6: {  	[dreg:$0x2] =	wrdreg s15  }
0xb7: {  	[dreg:$0x3] =	wrdreg s4  }
0xb8: {  	[dreg:$0x4] =	wrdreg s24  }
0xb9: {  	[dreg:$0x5] =	wrdreg s5  }
0xba: {  	[dreg:$0x6] =	wrdreg s16  }
0xbb: {  	[dreg:$0x7] =	wrdreg s17  }
0xbc: {  	[dreg:$0x8] =	wrdreg $0x9  }
0xbd: {  	_ =	task.clear_ibuf [dreg:s11], $0x9FFFF;
	_ =	strace $0x90000046  }
0xbe: {  	s29 =	simm.s32 $0x9;
	_ =	strace $0x80000048  }
0xbf: {  	_ =	swait.ge [sflag:s29], $0x1  }
0xc0: {  	[sflag:s29] =	ssyncadd.s32 $0xFFFFFFFF  }
0xc1: {  	_ =	strace $0x90000048  }
0xc2: {  	_ =	sfence  }
0xc3: {  	s30 =	sld [smem:$0x0];
	_ =	sdelay $0x2  }
0xc4: {  	s31 =	sshll.u32 s1, $0xD;
	s1 =	sshrl.u32 s1, $0x2  }
0xc5: {  	s3 =	sand.u32 $0x4000, s31;
	s1 =	sadd.s32 s1, s30  }
0xc6: {  	s0 =	sor.u32 s3, s0;
	s1 =	sshll.u32 s1, $0x11  }
0xc7: {  	s0 =	sor.u32 s1, s0  }
0xc8: {  	s0 =	sadd.s32 $0x8F2B, s0  }
0xc9: {  	[sflag:s0] =	ssyncadd.remote.s32 $0x1  }
0xca: {  	_ =	sfence.sel $0xFFFF  }
0xcb: {  	[dreg:$0x0] =	wrdreg $0xFFFFFFFF;
	(pc) =	sbr.abs _section_cstart, $3  }
0xcc: {  	[dreg:$0x1] =	wrdreg $0xFFFFFFFF  }
0xcd: {  	_ =	task.clear_ibuf [dreg:s11], $0x2FFFF;
	_ =	strace $0x9FFFFFFF  }
0xce: {  	(tm) =	ssettm $0x7FFFFFFF  }
0xcf: {  	_ =	shalt  }
tec
execute0_lowered:
.L_overlay_start_1:
0x0: {  	(tag) =	ssettag $0x1  }
0x1: {  	s0 =	rddreg [dreg:$0x0]  }
0x2: {  	s1 =	rddreg [dreg:$0x1]  }
0x3: {  	s2 =	rddreg [dreg:$0x2]  }
0x4: {  	s3 =	rddreg [dreg:$0x4]  }
0x5: {  	s4 =	simm.s32 $0x0;
	s5 =	srdreg.scid;
	s6 =	stileid.u32  }
0x6: {  	s17 =	simm.s32 $0x3;
	s18 =	simm.s32 $0x200;
	s19 =	simm.s32 $0x80  }
0x7: {  	s20 =	simm.s32 $0x280;
	s21 =	simm.s32 $0x100;
	s22 =	simm.s32 $0x300  }
0x8: {  	s23 =	simm.s32 $0x180;
	s24 =	simm.s32 $0x380;
	[smem:$0x7FF] =	sst s4  }
0x9: {  	s5 =	sand.u32 $0x1, s5;
	s6 =	sshll.u32 s6, $0x1;
	_ =	strace $0x80000047  }
0xa: {  	s7 =	ssub.s32 $0x2, s5;
	s25 =	sor.u32 s5, s6;
	s5 =	sadd.s32 $0xF42C00, s2  }
0xb: {  	s26 =	simm.s32 $0x0;
	s6 =	sadd.s32 $0x1313600, s2;
	s2 =	simm.s32 $0x7400  }
0xc: {  	s8 =	sshrl.u32 s7, $0x1;
	s15 =	sshll.u32 s25, $0x6;
	p0 =	sne.s32 s25, $0x0  }
0xd: {  	s25 =	simm.s32 $0x8400;
	s31 =	ssub.s32 s7, s8;
	s10 =	sor.u32 $0x10, s15  }
0xe: {  	s7 =	sadd.s32 s0, s15;
	s8 =	sadd.s32 s1, s15;
	s12 =	sor.u32 $0x20, s15  }
0xf: {  	s14 =	sor.u32 $0x30, s15;
	s15 =	sadd.s32 s3, s15;
	s3 =	simm.s32 $0x2  }
0x10: {  	s9 =	sadd.s32 s0, s10;
	s10 =	sadd.s32 s1, s10;
	s11 =	sadd.s32 s0, s12  }
0x11: {  	s12 =	sadd.s32 s1, s12;
	s13 =	sadd.s32 s0, s14;
	s14 =	sadd.s32 s1, s14  }
0x12: {  	vm0 =	vcmask $0x3F3C;
	s16 =	smax.u32 s31, $0x1;
	s0 =	simm.s32 $0x3400;
	s1 =	simm.s32 $0x1  }
.LBB2_1:
0x13: {  	[tilespmem:s4], [sflag:$0x3] =	stream.linear.gather [hbm4b:s7+s4], $0x80, $0x38;
	[tilespmem:$0x8610] =	vst v63  }
0x14: {  	_ =	swait.ge [sflag:s17], $0x80  }
0x15: {  	[sflag:s17] =	ssyncset.done $0x0  }
0x16: {  	[sflag:s17] =	ssyncadd.s32 $0xFFFFFF80  }
0x17: {  	[tilespmem:s18], [sflag:$0x3] =	stream.linear.gather [hbm4b:s8+s4], $0x80, $0x38;
	[tilespmem:$0x8610] =	vst v63  }
0x18: {  	_ =	swait.ge [sflag:s17], $0x80  }
0x19: {  	[sflag:s17] =	ssyncset.done $0x0  }
0x1a: {  	[sflag:s17] =	ssyncadd.s32 $0xFFFFFF80  }
0x1b: {  	[tilespmem:s19], [sflag:$0x3] =	stream.linear.gather [hbm4b:s9+s4], $0x80, $0x38;
	[tilespmem:$0x8610] =	vst v63  }
0x1c: {  	_ =	swait.ge [sflag:s17], $0x80  }
0x1d: {  	[sflag:s17] =	ssyncset.done $0x0  }
0x1e: {  	[sflag:s17] =	ssyncadd.s32 $0xFFFFFF80  }
0x1f: {  	[tilespmem:s20], [sflag:$0x3] =	stream.linear.gather [hbm4b:s10+s4], $0x80, $0x38;
	[tilespmem:$0x8610] =	vst v63  }
0x20: {  	_ =	swait.ge [sflag:s17], $0x80  }
0x21: {  	[sflag:s17] =	ssyncset.done $0x0  }
0x22: {  	[sflag:s17] =	ssyncadd.s32 $0xFFFFFF80  }
0x23: {  	[tilespmem:s21], [sflag:$0x3] =	stream.linear.gather [hbm4b:s11+s4], $0x80, $0x38;
	[tilespmem:$0x8610] =	vst v63  }
0x24: {  	_ =	swait.ge [sflag:s17], $0x80  }
0x25: {  	[sflag:s17] =	ssyncset.done $0x0  }
0x26: {  	[sflag:s17] =	ssyncadd.s32 $0xFFFFFF80  }
0x27: {  	[tilespmem:s22], [sflag:$0x3] =	stream.linear.gather [hbm4b:s12+s4], $0x80, $0x38;
	[tilespmem:$0x8610] =	vst v63  }
0x28: {  	_ =	swait.ge [sflag:s17], $0x80  }
0x29: {  	[sflag:s17] =	ssyncset.done $0x0  }
0x2a: {  	[sflag:s17] =	ssyncadd.s32 $0xFFFFFF80  }
0x2b: {  	[tilespmem:s23], [sflag:$0x3] =	stream.linear.gather [hbm4b:s13+s4], $0x80, $0x38;
	[tilespmem:$0x8610] =	vst v63  }
0x2c: {  	_ =	swait.ge [sflag:s17], $0x80  }
0x2d: {  	[sflag:s17] =	ssyncset.done $0x0  }
0x2e: {  	[sflag:s17] =	ssyncadd.s32 $0xFFFFFF80  }
0x2f: {  	[tilespmem:s24], [sflag:$0x3] =	stream.linear.gather [hbm4b:s14+s4], $0x80, $0x38;
	[tilespmem:$0x8610] =	vst v63  }
0x30: {  	_ =	swait.ge [sflag:s17], $0x80  }
0x31: {  	[sflag:s17] =	ssyncset.done $0x0  }
0x32: {  	s28 =	simm.s32 $0x400;
	[sflag:s17] =	ssyncadd.s32 $0xFFFFFF80  }
0x33: {  	[tilespmem:s28], [sflag:$0x1] =	stream.indirect.gather [hbm4b:s5+s19], $0x20, s4, s19, $0xb8;
	[tilespmem:$0x8610] =	vst v63  }
0x34: {  	s28 =	simm.s32 $0x4400  }
0x35: {  	[tilespmem:s28], [sflag:$0x2] =	stream.indirect.gather [hbm4b:s6+s19], $0x20, s18, s19, $0xb8;
	[tilespmem:$0x8610] =	vst v63  }
0x36: {  	s28 =	simm.s32 $0x1400  }
0x37: {  	[tilespmem:s28], [sflag:$0x1] =	stream.indirect.gather [hbm4b:s5+s19], $0x20, s19, s19, $0xb8;
	[tilespmem:$0x8610] =	vst v63  }
0x38: {  	s28 =	simm.s32 $0x5400  }
0x39: {  	[tilespmem:s28], [sflag:$0x2] =	stream.indirect.gather [hbm4b:s6+s19], $0x20, s20, s19, $0xb8;
	[tilespmem:$0x8610] =	vst v63  }
0x3a: {  	s28 =	simm.s32 $0x2400  }
0x3b: {  	[tilespmem:s28], [sflag:$0x1] =	stream.indirect.gather [hbm4b:s5+s19], $0x20, s21, s19, $0xb8;
	[tilespmem:$0x8610] =	vst v63  }
0x3c: {  	s28 =	simm.s32 $0x6400  }
0x3d: {  	[tilespmem:s28], [sflag:$0x2] =	stream.indirect.gather [hbm4b:s6+s19], $0x20, s22, s19, $0xb8;
	[tilespmem:$0x8610] =	vst v63  }
0x3e: {  	_ = 	snop  }
0x3f: {  	[tilespmem:s0], [sflag:$0x1] =	stream.indirect.gather [hbm4b:s5+s19], $0x20, s23, s19, $0xb8;
	[tilespmem:$0x8610] =	vst v63  }
0x40: {  	_ = 	snop  }
0x41: {  	[tilespmem:s2], [sflag:$0x2] =	stream.indirect.gather [hbm4b:s6+s19], $0x20, s24, s19, $0xb8;
	[tilespmem:$0x8610] =	vst v63  }
0x42: {  	_ =	swait.ge [sflag:s1], $0x1000  }
0x43: {  	[sflag:s1] =	ssyncset.done $0x0  }
0x44: {  	[sflag:s1] =	ssyncadd.s32 $0xFFFFF000  }
0x45: {  	_ =	swait.ge [sflag:s3], $0x1000  }
0x46: {  	[sflag:s3] =	ssyncset.done $0x0  }
0x47: {  	[sflag:s3] =	ssyncadd.s32 $0xFFFFF000  }
0x48: {  	_ =	swait.ge [sflag:s1], $0x1000  }
0x49: {  	[sflag:s1] =	ssyncset.done $0x0  }
0x4a: {  	[sflag:s1] =	ssyncadd.s32 $0xFFFFF000  }
0x4b: {  	_ =	swait.ge [sflag:s3], $0x1000  }
0x4c: {  	[sflag:s3] =	ssyncset.done $0x0  }
0x4d: {  	[sflag:s3] =	ssyncadd.s32 $0xFFFFF000  }
0x4e: {  	_ =	swait.ge [sflag:s1], $0x1000  }
0x4f: {  	[sflag:s1] =	ssyncset.done $0x0  }
0x50: {  	[sflag:s1] =	ssyncadd.s32 $0xFFFFF000  }
0x51: {  	_ =	swait.ge [sflag:s3], $0x1000  }
0x52: {  	[sflag:s3] =	ssyncset.done $0x0  }
0x53: {  	[sflag:s3] =	ssyncadd.s32 $0xFFFFF000  }
0x54: {  	_ =	swait.ge [sflag:s1], $0x1000  }
0x55: {  	[sflag:s1] =	ssyncset.done $0x0  }
0x56: {  	[sflag:s1] =	ssyncadd.s32 $0xFFFFF000  }
0x57: {  	_ =	swait.ge [sflag:s3], $0x1000  }
0x58: {  	[sflag:s3] =	ssyncset.done $0x0  }
0x59: {  	s28 =	simm.s32 $0x4410;
	[sflag:s3] =	ssyncadd.s32 $0xFFFFF000  }
0x5a: {  	s29 =	simm.s32 $0x410;
	v0 =	vld [tilespmem:s28+$0xFFFFFFF0]  }
0x5b: {  	v1 =	vld [tilespmem:s29+$0xFFFFFFF0]  }
0x5c: {  	v2 =	vld [tilespmem:s29+$0x0]  }
0x5d: {  	s31 =	simm.s32 $0x1;
	s30 =	simm.s32 $0x0;
	v3 =	vld [tilespmem:s28+$0x0]  }
.LBB2_2:
0x5e: {  	p1 =	sne.s32 s31, $0x1FF;
	_ =	sdelay $0x3  }
0x5f: {  	v0 =	vmul.f32 v0, v1;
	v1 =	vmul.f32 v3, v2;
	_ =	sdelay $0x1  }
0x60: {  	v0 =	vadd.f32 v1, v0;
	_ =	sdelay $0x1  }
0x61: {  	(xrf2) =	vadd.scan.msk.f32 $0xffff, v0;
	_ =	sdelay $0x5  }
0x62: {  	v0 =	vmov s30;
	s30 =	smov.u32 s31;
	_ =	sdelay $0x3  }
0x63: {  	v1, _, _ =	vpop (xrf2)  }
.Ltmp0:
0x64: {  	s28 =	sadd.s32 $0x20, s28;
	[tilespmem:v0+s25+$0x0] =	vst.idx.msk vm0, v1;
	(pc) =	sbr.rel @p1 .LBB2_2-.Ltmp0, $4  }
0x65: {  	s29 =	sadd.s32 $0x20, s29;
	v0 =	vld [tilespmem:s28+$0xFFFFFFF0]  }
0x66: {  	v1 =	vld [tilespmem:s29+$0xFFFFFFF0]  }
0x67: {  	v2 =	vld [tilespmem:s29+$0x0]  }
0x68: {  	s31 =	sadd.s32 $0x1, s31;
	v3 =	vld [tilespmem:s28+$0x0]  }
0x69: {  	_ =	sdelay $0x3  }
0x6a: {  	v0 =	vmul.f32 v0, v1;
	v61 =	vmul.f32 v3, v2;
	_ =	sdelay $0x1  }
0x6b: {  	v0 =	vadd.f32 v61, v0;
	_ =	sdelay $0x1  }
0x6c: {  	(xrf2) =	vadd.scan.msk.f32 $0xffff, v0;
	_ =	sdelay $0x5  }
0x6d: {  	v62 =	vmov s30;
	_ =	sdelay $0x3  }
0x6e: {  	v63, _, _ =	vpop (xrf2)  }
0x6f: {  	[tilespmem:v62+s25+$0x0] =	vst.idx.msk vm0, v63  }
0x70: {  	[hbm4b:s15+s4] =	stream.linear.scatter [tilespmem:s25], [sflag:$0x3], $0x200, $0x38;
	[tilespmem:$0x8610] =	vst v63  }
0x71: {  	_ =	swait.ge [sflag:s17], $0x200  }
0x72: {  	[sflag:s17] =	ssyncset.done $0x0  }
0x73: {  	[sflag:s17] =	ssyncadd.s32 $0xFFFFFE00  }
0x74: {  	s28 =	simm.s32 @!p0 $0x0;
	s29 =	simm.s32 @!p0 $0x8600;
	s30 =	rddreg [dreg:$0x3]  }
0x75: {  	[tilespmem:s29], [sflag:$0x3] =	stream.linear.gather @!p0 [hbm4b:s30+s28], $0x1, $0x38;
	[tilespmem:$0x8610] =	vst v63  }
0x76: {  	s30 =	simm.s32 @!p0 $0x3  }
0x77: {  	_ =	swait.ge @!p0 [sflag:s30], $0x1  }
0x78: {  	[sflag:s30] =	ssyncset.done @!p0 $0x0  }
0x79: {  	[sflag:s30] =	ssyncadd.s32 @!p0 $0xFFFFFFFF  }
0x7a: {  	v0 =	vld @!p0 [tilespmem:$0x8600];
	_ =	sdelay $0x4  }
0x7b: {  	s26 =	sadd.s32 $0x1, s26;
	v0 =	vmax.f32 @!p0 v0, $-2.500000000e+00  }
0x7c: {  	p1 =	sne.s32 s26, s16;
	v0 =	vmin.f32 @!p0 v0, $0.0e+00  }
.Ltmp1:
0x7d: {  	s31 =	rddreg [dreg:$0x5];
	[tilespmem:$0x8600] =	vst @!p0 v0;
	(pc) =	sbr.rel @p1 .LBB2_1-.Ltmp1, $4  }
0x7e: {  	[hbm4b:s31+s28] =	stream.linear.scatter @!p0 [tilespmem:s29], [sflag:$0x3], $0x10, $0x38;
	[tilespmem:$0x8610] =	vst v63  }
0x7f: {  	_ =	swait.ge @!p0 [sflag:s30], $0x10  }
0x80: {  	[sflag:s30] =	ssyncset.done @!p0 $0x0  }
0x81: {  	[sflag:s30] =	ssyncadd.s32 @!p0 $0xFFFFFFF0  }
0x82: {  	_ =	sfence.sel $0x180000  }
0x83: {  	[bflag:$0x0] =	sbarrier.arrive $0xFFFF  }
0x84: {  	_ =	strace $0x90000047  }
0x85: {  	s0 =	stileid.u32;
	[bflag:$0x2] =	sbarrier.arrive $0xFFFF  }
0x86: {  	p0 =	sne.s32 s0, $0x0;
	s0 =	rddreg [dreg:$0x6]  }
0x87: {  	s0 =	sadd.s32 @!p0 $0x100000, s0  }
0x88: {  	[sflag:s0] =	ssyncadd.tile.s32 @!p0 $0x1;
	_ =	shalt  }
.Lfunc_end2:
_tile_overlayer_lowered:
.L_overlay_start_2:
0x89: {  	(tag) =	ssettag $0x2  }
0x8a: {  	s0 =	rddreg [dreg:$0x0];
	s2 =	stileid.u32  }
0x8b: {  	s1 =	rddreg [dreg:$0x1];
	p0 =	sne.s32 s2, $0x0  }
0x8c: {  	s3 =	rddreg [dreg:$0x2];
	[bflag:$0x3] =	sbarrier.arrive $0xFFFF;
	s2 =	simm.s32 @!p0 $0x1C03  }
0x8d: {  	[timem:s3], [sflag:s2] =	dma.local @!p0 [hbm:s0], s1  }
0x8e: {  	s0 =	simm.s32 @!p0 $0x3  }
0x8f: {  	_ =	swait.ge @!p0 [sflag:s0], s1  }
0x90: {  	s1 =	ssub.s32 @!p0 $0x0, s1;
	[sflag:s0] =	ssyncset.done @!p0 $0x0  }
0x91: {  	[sflag:s0] =	ssyncadd.s32 @!p0 s1  }
0x92: {  	[bflag:$0x3] =	sbarrier.arrive $0xFFFF  }
0x93: {  	_ =	shalt  }

</sc_bundles>
